<compile_context>
chip_gen: v7x
topology: tpu7x:2x2x1
jax: 0.10.2.dev20260603
libtpu: 0.0.44.dev20260713+nightly
codegen_flags: <defaults>
</compile_context>

<pallas_src>
import jax
import jax.numpy as jnp
from jax import lax
from jax.experimental import pallas as pl
from jax.experimental.pallas import tpu as pltpu
from jax.experimental.pallas import tpu_sc as plsc

N = 10000
D = 256
Q = 64
NQ = 4
E = 160000
N_TILES = 16
N_CORES = 2
CHUNK = 128
CHUNKS_PER_TILE = 79
EPAD = N_TILES * CHUNKS_PER_TILE * CHUNK
NROW = 10112
ROWS_PER_TILE = NROW // N_TILES
DEG_W = 8


def _sc_body(x_q, sidx, didx, zeros_acc, zeros_deg, ones_blk,
             agg_out, deg_out,
             idxs_v, idxd_v, rows_v, ones_v, acc_sh, deg_sh, sem):
    c = lax.axis_index("c")
    s = lax.axis_index("s")
    base = s * ROWS_PER_TILE
    row_sl = pl.ds(base, ROWS_PER_TILE)

    @pl.when(c == 0)
    def _():
        pltpu.sync_copy(ones_blk, ones_v)

    pltpu.sync_copy(didx.at[s], idxd_v)

    for p in range(2):
        q = 2 * p + c
        pltpu.sync_copy(zeros_acc.at[row_sl], acc_sh.at[row_sl])

        if p == 0:
            @pl.when(c == 0)
            def _():
                pltpu.sync_copy(zeros_deg.at[row_sl], deg_sh.at[row_sl])

        pltpu.sync_copy(sidx.at[q, s], idxs_v)
        plsc.subcore_barrier()

        def chunk(j, carry):
            pltpu.async_copy(x_q.at[idxs_v.at[j]], rows_v, sem).wait()
            pltpu.sync_copy(rows_v, acc_sh.at[idxd_v.at[j]], add=True)

            if p == 0:
                @pl.when(c == 0)
                def _():
                    pltpu.sync_copy(ones_v, deg_sh.at[idxd_v.at[j]], add=True)

            return carry

        lax.fori_loop(0, CHUNKS_PER_TILE, chunk, 0)
        plsc.subcore_barrier()

        pltpu.sync_copy(acc_sh.at[row_sl], agg_out.at[q, row_sl])

        if p == 0:
            @pl.when(c == 0)
            def _():
                pltpu.sync_copy(deg_sh.at[row_sl], deg_out.at[row_sl])


_sc_agg_call = pl.kernel(
    _sc_body,
    out_type=(
        jax.ShapeDtypeStruct((NQ, NROW, Q), jnp.float32),
        jax.ShapeDtypeStruct((NROW, DEG_W), jnp.float32),
    ),
    mesh=plsc.VectorSubcoreMesh(core_axis_name="c", subcore_axis_name="s"),
    compiler_params=pltpu.CompilerParams(use_tc_tiling_on_sc=False),
    scratch_types=[
        pltpu.VMEM((CHUNKS_PER_TILE, CHUNK), jnp.int32),
        pltpu.VMEM((CHUNKS_PER_TILE, CHUNK), jnp.int32),
        pltpu.VMEM((CHUNK, Q), jnp.float32),
        pltpu.VMEM((CHUNK, DEG_W), jnp.float32),
        pltpu.VMEM_SHARED((NROW, Q), jnp.float32),
        pltpu.VMEM_SHARED((NROW, DEG_W), jnp.float32),
        pltpu.SemaphoreType.DMA,
    ],
)


def _sc_agg(x_src, edge_index):
    src = edge_index[0].astype(jnp.int32)
    dst = edge_index[1].astype(jnp.int32)
    src_p = jnp.pad(src, (0, EPAD - E))
    dst_p = jnp.pad(dst, (0, EPAD - E), constant_values=N)
    sidx = jnp.stack([4 * src_p + q for q in range(NQ)]).reshape(
        NQ, N_TILES, CHUNKS_PER_TILE, CHUNK)
    didx = dst_p.reshape(N_TILES, CHUNKS_PER_TILE, CHUNK)
    x_q = x_src.reshape(NQ * N, Q)
    zeros_acc = jnp.zeros((NROW, Q), jnp.float32)
    zeros_deg = jnp.zeros((NROW, DEG_W), jnp.float32)
    ones_blk = jnp.ones((CHUNK, DEG_W), jnp.float32)
    return _sc_agg_call(x_q, sidx, didx, zeros_acc, zeros_deg, ones_blk)


TC_BLK = 1000


def _tc_body(a0_ref, a1_ref, a2_ref, a3_ref, deg_ref, x_ref,
             wl_ref, wr_ref, bl_ref, o_ref):
    d = jnp.maximum(deg_ref[:, :1], 1.0)
    agg = jnp.concatenate(
        [a0_ref[...], a1_ref[...], a2_ref[...], a3_ref[...]], axis=1) / d
    o_ref[...] = (
        jnp.dot(agg, wl_ref[...], preferred_element_type=jnp.float32)
        + jnp.dot(x_ref[...], wr_ref[...], preferred_element_type=jnp.float32)
        + bl_ref[...])


_tc_call = pl.pallas_call(
    _tc_body,
    grid=(N // TC_BLK,),
    in_specs=[
        pl.BlockSpec((TC_BLK, Q), lambda i: (i, 0)),
        pl.BlockSpec((TC_BLK, Q), lambda i: (i, 0)),
        pl.BlockSpec((TC_BLK, Q), lambda i: (i, 0)),
        pl.BlockSpec((TC_BLK, Q), lambda i: (i, 0)),
        pl.BlockSpec((TC_BLK, DEG_W), lambda i: (i, 0)),
        pl.BlockSpec((TC_BLK, D), lambda i: (i, 0)),
        pl.BlockSpec((D, D), lambda i: (0, 0)),
        pl.BlockSpec((D, D), lambda i: (0, 0)),
        pl.BlockSpec((1, D), lambda i: (0, 0)),
    ],
    out_specs=pl.BlockSpec((TC_BLK, D), lambda i: (i, 0)),
    out_shape=jax.ShapeDtypeStruct((N, D), jnp.float32),
)


def _tc(agg, deg, x_dst, Wl, Wr, bl):
    return _tc_call(agg[0, :N], agg[1, :N], agg[2, :N], agg[3, :N],
                    deg[:N], x_dst, Wl, Wr, bl.reshape(1, D))


def kernel(x_sites, x_wells, edge_index_s2w, edge_index_w2s,
           Wl_s2w, bl_s2w, Wr_s2w, Wl_w2s, bl_w2s, Wr_w2s):
    agg_w, deg_w = _sc_agg(x_sites, edge_index_s2w)
    agg_s, deg_s = _sc_agg(x_wells, edge_index_w2s)
    z_wells = _tc(agg_w, deg_w, x_wells, Wl_s2w, Wr_s2w, bl_s2w)
    z_sites = _tc(agg_s, deg_s, x_sites, Wl_w2s, Wr_w2s, bl_w2s)
    return (z_sites, z_wells)

# --- scband reference (transcript-rebuilt; emitter-appended) ---
"""Pipeline reference for scband-gae-24309514895875 (READ-ONLY COPY).

The authoritative reference and input builder live on the scoring server;
editing this copy changes nothing except your own understanding.
"""

import jax, jax.numpy as jnp
import numpy as np

N_SITES = 10000
N_WELLS = 10000
D = 256
OUT = 256
E = 160000


def setup_inputs(seed: int = 0) -> dict:
    key = jax.random.key(seed)
    ks = jax.random.split(key, 10)
    x_sites = jax.random.normal(ks[0], (N_SITES, D), dtype=jnp.float32)
    x_wells = jax.random.normal(ks[1], (N_WELLS, D), dtype=jnp.float32)
    # relation ('pfas_sites','distance','gw_wells'): row0=src (sites), row1=dst (wells)
    edge_index_s2w = jax.random.randint(ks[2], (2, E), 0, 10000, dtype=jnp.int64)
    # relation ('gw_wells','distance','pfas_sites'): row0=src (wells), row1=dst (sites)
    edge_index_w2s = jax.random.randint(ks[3], (2, E), 0, 10000, dtype=jnp.int64)
    s = 1.0 / np.sqrt(D)
    # SAGEConv params per relation: lin_l (with bias) applied to mean-aggregated src feats,
    # lin_r (no bias) applied to dst feats.
    Wl_s2w = jax.random.uniform(ks[4], (D, OUT), jnp.float32, -s, s)
    bl_s2w = jnp.zeros((OUT,), jnp.float32)
    Wr_s2w = jax.random.uniform(ks[5], (D, OUT), jnp.float32, -s, s)
    Wl_w2s = jax.random.uniform(ks[6], (D, OUT), jnp.float32, -s, s)
    bl_w2s = jnp.zeros((OUT,), jnp.float32)
    Wr_w2s = jax.random.uniform(ks[7], (D, OUT), jnp.float32, -s, s)
    return {
        "x_sites": x_sites, "x_wells": x_wells,
        "edge_index_s2w": edge_index_s2w, "edge_index_w2s": edge_index_w2s,
        "Wl_s2w": Wl_s2w, "bl_s2w": bl_s2w, "Wr_s2w": Wr_s2w,
        "Wl_w2s": Wl_w2s, "bl_w2s": bl_w2s, "Wr_w2s": Wr_w2s,
    }


def _sage_conv(x_src, x_dst, edge_index, Wl, bl, Wr, num_dst):
    src = edge_index[0]
    dst = edge_index[1]
    msgs = jnp.take(x_src, src, axis=0)
    agg = jax.ops.segment_sum(msgs, dst, num_segments=num_dst)
    deg = jax.ops.segment_sum(jnp.ones((msgs.shape[0],), dtype=x_src.dtype), dst, num_segments=num_dst)
    agg = agg / jnp.maximum(deg, 1.0)[:, None]
    return agg @ Wl + bl + x_dst @ Wr


def reference(x_sites, x_wells, edge_index_s2w, edge_index_w2s,
              Wl_s2w, bl_s2w, Wr_s2w, Wl_w2s, bl_w2s, Wr_w2s):
    # HeteroConv with one relation per destination node type; aggr='mean' over a
    # single contribution is identity.
    z_wells = _sage_conv(x_sites, x_wells, edge_index_s2w, Wl_s2w, bl_s2w, Wr_s2w, N_WELLS)
    z_sites = _sage_conv(x_wells, x_sites, edge_index_w2s, Wl_w2s, bl_w2s, Wr_w2s, N_SITES)
    return (z_sites, z_wells)

if __name__ == "__main__":
    import jax
    _d = setup_inputs()
    print(jax.jit(kernel)(*tuple(_d.values())))

</pallas_src>

<mosaic_0001>
#map = affine_map<(d0, d1) -> (0, 0)>
#map1 = affine_map<(d0, d1) -> (0, 0, 0, 0)>
#map2 = affine_map<(d0, d1) -> (0, 0, 0)>
module attributes {stable_mosaic.version = 14 : i64} {
  func.func @_sc_body(%arg0: i32, %arg1: i32, %arg2: memref<40000x64xf32, #tpu.memory_space<hbm>>, %arg3: memref<4x16x79x128xi32, #tpu.memory_space<hbm>>, %arg4: memref<16x79x128xi32, #tpu.memory_space<hbm>>, %arg5: memref<10112x64xf32, #tpu.memory_space<hbm>>, %arg6: memref<10112x8xf32, #tpu.memory_space<hbm>>, %arg7: memref<128x8xf32, #tpu.memory_space<hbm>>, %arg8: memref<4x10112x64xf32, #tpu.memory_space<hbm>>, %arg9: memref<10112x8xf32, #tpu.memory_space<hbm>>, %arg10: memref<79x128xi32, #tpu.memory_space<vmem>>, %arg11: memref<79x128xi32, #tpu.memory_space<vmem>>, %arg12: memref<128x64xf32, #tpu.memory_space<vmem>>, %arg13: memref<128x8xf32, #tpu.memory_space<vmem>>, %arg14: memref<10112x64xf32, #tpu.memory_space<vmem_shared>>, %arg15: memref<10112x8xf32, #tpu.memory_space<vmem_shared>>, %arg16: memref<!tpu.dma_semaphore, #tpu.memory_space<semaphore_mem>>) attributes {dimension_semantics = [#tpu.dimension_semantics<core_parallel>, #tpu.dimension_semantics<subcore_parallel>], iteration_bounds = array<i64: 2, 16>, scalar_prefetch = 0 : i64, scratch_operands = 7 : i64, tpu.core_type = #tpu.core_type<sc_vector_subcore>, window_params = [{transform_indices = #map}, {transform_indices = #map1}, {transform_indices = #map2}, {transform_indices = #map}, {transform_indices = #map}, {transform_indices = #map}, {transform_indices = #map2}, {transform_indices = #map}]} {
    %mul3A = arith.constant 632 : i32
    %mul3A_0 = arith.muli %arg1, %mul3A : i32
    %eq3A = arith.constant 0 : i32
    %eq3A_1 = arith.cmpi eq, %arg0, %eq3A : i32
    %convert_element_type3A = arith.extui %eq3A_1 : i1 to i32
    %cond3A = arith.constant 0 : i32
    %cond3A_2 = arith.cmpi ne, %convert_element_type3A, %cond3A : i32
    scf.if %cond3A_2 {
      "tpu.region"() ({
        %run_scoped3A = tpu.sem_alloc : memref<!tpu.dma_semaphore, #tpu.memory_space<semaphore_mem>>
        tpu.enqueue_dma source(%arg7 : memref<128x8xf32, #tpu.memory_space<hbm>>) target(%arg13 : memref<128x8xf32, #tpu.memory_space<vmem>>) target_semaphore(%run_scoped3A : memref<!tpu.dma_semaphore, #tpu.memory_space<semaphore_mem>>)
        tpu.wait_dma2 semaphore(%run_scoped3A : memref<!tpu.dma_semaphore, #tpu.memory_space<semaphore_mem>>) src(%arg7 : memref<128x8xf32, #tpu.memory_space<hbm>>) dst(%arg13 : memref<128x8xf32, #tpu.memory_space<vmem>>)
        tpu.yield
      }) : () -> ()
    } else {
    }
    "tpu.region"() ({
      %run_scoped3A = tpu.sem_alloc : memref<!tpu.dma_semaphore, #tpu.memory_space<semaphore_mem>>
      %dma_start3A = arith.constant 0 : i32
      %dma_start3A_30 = arith.constant 0 : i32
      %dma_start3A_31 = tpu.memref_slice %arg4[%arg1, %dma_start3A, %dma_start3A_30] : memref<16x79x128xi32, #tpu.memory_space<hbm>> -> memref<1x79x128xi32, #tpu.memory_space<hbm>>
      %dma_start3A_32 = tpu.memref_squeeze %dma_start3A_31 : memref<1x79x128xi32, #tpu.memory_space<hbm>> -> memref<79x128xi32, #tpu.memory_space<hbm>>
      %dma_start3A_33 = arith.constant 0 : i32
      %dma_start3A_34 = arith.constant 0 : i32
      %dma_start3A_35 = tpu.memref_slice %arg4[%arg1, %dma_start3A_33, %dma_start3A_34] : memref<16x79x128xi32, #tpu.memory_space<hbm>> -> memref<1x79x128xi32, #tpu.memory_space<hbm>>
      %dma_start3A_36 = tpu.memref_squeeze %dma_start3A_35 : memref<1x79x128xi32, #tpu.memory_space<hbm>> -> memref<79x128xi32, #tpu.memory_space<hbm>>
      tpu.enqueue_dma source(%dma_start3A_36 : memref<79x128xi32, #tpu.memory_space<hbm>>) target(%arg11 : memref<79x128xi32, #tpu.memory_space<vmem>>) target_semaphore(%run_scoped3A : memref<!tpu.dma_semaphore, #tpu.memory_space<semaphore_mem>>)
      %dma_wait3A = arith.constant 0 : i32
      %dma_wait3A_37 = arith.constant 0 : i32
      %dma_wait3A_38 = tpu.memref_slice %arg4[%arg1, %dma_wait3A, %dma_wait3A_37] : memref<16x79x128xi32, #tpu.memory_space<hbm>> -> memref<1x79x128xi32, #tpu.memory_space<hbm>>
      %dma_wait3A_39 = tpu.memref_squeeze %dma_wait3A_38 : memref<1x79x128xi32, #tpu.memory_space<hbm>> -> memref<79x128xi32, #tpu.memory_space<hbm>>
      %dma_wait3A_40 = arith.constant 0 : i32
      %dma_wait3A_41 = arith.constant 0 : i32
      %dma_wait3A_42 = tpu.memref_slice %arg4[%arg1, %dma_wait3A_40, %dma_wait3A_41] : memref<16x79x128xi32, #tpu.memory_space<hbm>> -> memref<1x79x128xi32, #tpu.memory_space<hbm>>
      %dma_wait3A_43 = tpu.memref_squeeze %dma_wait3A_42 : memref<1x79x128xi32, #tpu.memory_space<hbm>> -> memref<79x128xi32, #tpu.memory_space<hbm>>
      tpu.wait_dma2 semaphore(%run_scoped3A : memref<!tpu.dma_semaphore, #tpu.memory_space<semaphore_mem>>) src(%dma_wait3A_43 : memref<79x128xi32, #tpu.memory_space<hbm>>) dst(%arg11 : memref<79x128xi32, #tpu.memory_space<vmem>>)
      tpu.yield
    }) : () -> ()
    %add3A = arith.constant 0 : i32
    %add3A_3 = arith.addi %add3A, %arg0 : i32
    "tpu.region"() ({
      %run_scoped3A = tpu.sem_alloc : memref<!tpu.dma_semaphore, #tpu.memory_space<semaphore_mem>>
      %dma_start3A = arith.constant 0 : i32
      %dma_start3A_30 = tpu.memref_slice %arg14[%mul3A_0, %dma_start3A] : memref<10112x64xf32, #tpu.memory_space<vmem_shared>> -> memref<632x64xf32, #tpu.memory_space<vmem_shared>>
      %dma_start3A_31 = arith.constant 0 : i32
      %dma_start3A_32 = tpu.memref_slice %arg5[%mul3A_0, %dma_start3A_31] : memref<10112x64xf32, #tpu.memory_space<hbm>> -> memref<632x64xf32, #tpu.memory_space<hbm>>
      tpu.enqueue_dma source(%dma_start3A_32 : memref<632x64xf32, #tpu.memory_space<hbm>>) target(%dma_start3A_30 : memref<632x64xf32, #tpu.memory_space<vmem_shared>>) target_semaphore(%run_scoped3A : memref<!tpu.dma_semaphore, #tpu.memory_space<semaphore_mem>>)
      %dma_wait3A = arith.constant 0 : i32
      %dma_wait3A_33 = tpu.memref_slice %arg14[%mul3A_0, %dma_wait3A] : memref<10112x64xf32, #tpu.memory_space<vmem_shared>> -> memref<632x64xf32, #tpu.memory_space<vmem_shared>>
      %dma_wait3A_34 = arith.constant 0 : i32
      %dma_wait3A_35 = tpu.memref_slice %arg5[%mul3A_0, %dma_wait3A_34] : memref<10112x64xf32, #tpu.memory_space<hbm>> -> memref<632x64xf32, #tpu.memory_space<hbm>>
      tpu.wait_dma2 semaphore(%run_scoped3A : memref<!tpu.dma_semaphore, #tpu.memory_space<semaphore_mem>>) src(%dma_wait3A_35 : memref<632x64xf32, #tpu.memory_space<hbm>>) dst(%dma_wait3A_33 : memref<632x64xf32, #tpu.memory_space<vmem_shared>>)
      tpu.yield
    }) : () -> ()
    %eq3A_4 = arith.constant 0 : i32
    %eq3A_5 = arith.cmpi eq, %arg0, %eq3A_4 : i32
    %convert_element_type3A_6 = arith.extui %eq3A_5 : i1 to i32
    %cond3A_7 = arith.constant 0 : i32
    %cond3A_8 = arith.cmpi ne, %convert_element_type3A_6, %cond3A_7 : i32
    scf.if %cond3A_8 {
      "tpu.region"() ({
        %run_scoped3A = tpu.sem_alloc : memref<!tpu.dma_semaphore, #tpu.memory_space<semaphore_mem>>
        %dma_start3A = arith.constant 0 : i32
        %dma_start3A_30 = tpu.memref_slice %arg15[%mul3A_0, %dma_start3A] : memref<10112x8xf32, #tpu.memory_space<vmem_shared>> -> memref<632x8xf32, #tpu.memory_space<vmem_shared>>
        %dma_start3A_31 = arith.constant 0 : i32
        %dma_start3A_32 = tpu.memref_slice %arg6[%mul3A_0, %dma_start3A_31] : memref<10112x8xf32, #tpu.memory_space<hbm>> -> memref<632x8xf32, #tpu.memory_space<hbm>>
        tpu.enqueue_dma source(%dma_start3A_32 : memref<632x8xf32, #tpu.memory_space<hbm>>) target(%dma_start3A_30 : memref<632x8xf32, #tpu.memory_space<vmem_shared>>) target_semaphore(%run_scoped3A : memref<!tpu.dma_semaphore, #tpu.memory_space<semaphore_mem>>)
        %dma_wait3A = arith.constant 0 : i32
        %dma_wait3A_33 = tpu.memref_slice %arg15[%mul3A_0, %dma_wait3A] : memref<10112x8xf32, #tpu.memory_space<vmem_shared>> -> memref<632x8xf32, #tpu.memory_space<vmem_shared>>
        %dma_wait3A_34 = arith.constant 0 : i32
        %dma_wait3A_35 = tpu.memref_slice %arg6[%mul3A_0, %dma_wait3A_34] : memref<10112x8xf32, #tpu.memory_space<hbm>> -> memref<632x8xf32, #tpu.memory_space<hbm>>
        tpu.wait_dma2 semaphore(%run_scoped3A : memref<!tpu.dma_semaphore, #tpu.memory_space<semaphore_mem>>) src(%dma_wait3A_35 : memref<632x8xf32, #tpu.memory_space<hbm>>) dst(%dma_wait3A_33 : memref<632x8xf32, #tpu.memory_space<vmem_shared>>)
        tpu.yield
      }) : () -> ()
    } else {
    }
    "tpu.region"() ({
      %run_scoped3A = tpu.sem_alloc : memref<!tpu.dma_semaphore, #tpu.memory_space<semaphore_mem>>
      %dma_start3A = arith.constant 0 : i32
      %dma_start3A_30 = arith.constant 0 : i32
      %dma_start3A_31 = tpu.memref_slice %arg3[%add3A_3, %arg1, %dma_start3A, %dma_start3A_30] : memref<4x16x79x128xi32, #tpu.memory_space<hbm>> -> memref<1x1x79x128xi32, #tpu.memory_space<hbm>>
      %dma_start3A_32 = tpu.memref_squeeze %dma_start3A_31 : memref<1x1x79x128xi32, #tpu.memory_space<hbm>> -> memref<79x128xi32, #tpu.memory_space<hbm>>
      %dma_start3A_33 = arith.constant 0 : i32
      %dma_start3A_34 = arith.constant 0 : i32
      %dma_start3A_35 = tpu.memref_slice %arg3[%add3A_3, %arg1, %dma_start3A_33, %dma_start3A_34] : memref<4x16x79x128xi32, #tpu.memory_space<hbm>> -> memref<1x1x79x128xi32, #tpu.memory_space<hbm>>
      %dma_start3A_36 = tpu.memref_squeeze %dma_start3A_35 : memref<1x1x79x128xi32, #tpu.memory_space<hbm>> -> memref<79x128xi32, #tpu.memory_space<hbm>>
      tpu.enqueue_dma source(%dma_start3A_36 : memref<79x128xi32, #tpu.memory_space<hbm>>) target(%arg10 : memref<79x128xi32, #tpu.memory_space<vmem>>) target_semaphore(%run_scoped3A : memref<!tpu.dma_semaphore, #tpu.memory_space<semaphore_mem>>)
      %dma_wait3A = arith.constant 0 : i32
      %dma_wait3A_37 = arith.constant 0 : i32
      %dma_wait3A_38 = tpu.memref_slice %arg3[%add3A_3, %arg1, %dma_wait3A, %dma_wait3A_37] : memref<4x16x79x128xi32, #tpu.memory_space<hbm>> -> memref<1x1x79x128xi32, #tpu.memory_space<hbm>>
      %dma_wait3A_39 = tpu.memref_squeeze %dma_wait3A_38 : memref<1x1x79x128xi32, #tpu.memory_space<hbm>> -> memref<79x128xi32, #tpu.memory_space<hbm>>
      %dma_wait3A_40 = arith.constant 0 : i32
      %dma_wait3A_41 = arith.constant 0 : i32
      %dma_wait3A_42 = tpu.memref_slice %arg3[%add3A_3, %arg1, %dma_wait3A_40, %dma_wait3A_41] : memref<4x16x79x128xi32, #tpu.memory_space<hbm>> -> memref<1x1x79x128xi32, #tpu.memory_space<hbm>>
      %dma_wait3A_43 = tpu.memref_squeeze %dma_wait3A_42 : memref<1x1x79x128xi32, #tpu.memory_space<hbm>> -> memref<79x128xi32, #tpu.memory_space<hbm>>
      tpu.wait_dma2 semaphore(%run_scoped3A : memref<!tpu.dma_semaphore, #tpu.memory_space<semaphore_mem>>) src(%dma_wait3A_43 : memref<79x128xi32, #tpu.memory_space<hbm>>) dst(%arg10 : memref<79x128xi32, #tpu.memory_space<vmem>>)
      tpu.yield
    }) : () -> ()
    %barrier3A = arith.constant 0 : index
    tpu.barrier barrier_id(%barrier3A)
    %scan3A = arith.constant 0 : i32
    %scan3A_9 = arith.constant 0 : i32
    %scan3A_10 = arith.constant 79 : i32
    %scan3A_11 = arith.addi %scan3A_9, %scan3A_10 : i32
    %scan3A_12 = arith.constant 1 : i32
    scf.for %scan3A_30 = %scan3A_9 to %scan3A_11 step %scan3A_12  : i32 {
      %dma_start3A = arith.constant 0 : i32
      %dma_start3A_31 = tpu.memref_slice %arg10[%scan3A_30, %dma_start3A] : memref<79x128xi32, #tpu.memory_space<vmem>> -> memref<1x128xi32, #tpu.memory_space<vmem>>
      %dma_start3A_32 = tpu.memref_squeeze %dma_start3A_31 : memref<1x128xi32, #tpu.memory_space<vmem>> -> memref<128xi32, #tpu.memory_space<vmem>>
      %dma_start3A_33 = arith.constant 0 : i32
      %dma_start3A_34 = arith.constant 0 : i32
      %dma_start3A_35 = tpu.memref_slice %arg2[%dma_start3A_33, %dma_start3A_34] : memref<40000x64xf32, #tpu.memory_space<hbm>> -> memref<40000x64xf32, #tpu.memory_space<hbm>>
      tpu.enqueue_indirect_dma source(%dma_start3A_35 : memref<40000x64xf32, #tpu.memory_space<hbm>>) target(%arg12 : memref<128x64xf32, #tpu.memory_space<vmem>>) offsets(%dma_start3A_32 : memref<128xi32, #tpu.memory_space<vmem>>) semaphore(%arg16 : memref<!tpu.dma_semaphore, #tpu.memory_space<semaphore_mem>>)
      %dma_wait3A = arith.constant 0 : i32
      %dma_wait3A_36 = tpu.memref_slice %arg10[%scan3A_30, %dma_wait3A] : memref<79x128xi32, #tpu.memory_space<vmem>> -> memref<1x128xi32, #tpu.memory_space<vmem>>
      %dma_wait3A_37 = tpu.memref_squeeze %dma_wait3A_36 : memref<1x128xi32, #tpu.memory_space<vmem>> -> memref<128xi32, #tpu.memory_space<vmem>>
      %dma_wait3A_38 = arith.constant 0 : i32
      %dma_wait3A_39 = arith.constant 0 : i32
      %dma_wait3A_40 = tpu.memref_slice %arg2[%dma_wait3A_38, %dma_wait3A_39] : memref<40000x64xf32, #tpu.memory_space<hbm>> -> memref<40000x64xf32, #tpu.memory_space<hbm>>
      tpu.wait_indirect_dma semaphore(%arg16 : memref<!tpu.dma_semaphore, #tpu.memory_space<semaphore_mem>>) src(%dma_wait3A_40 : memref<40000x64xf32, #tpu.memory_space<hbm>>) dst(%arg12 : memref<128x64xf32, #tpu.memory_space<vmem>>)
      "tpu.region"() ({
        %run_scoped3A = tpu.sem_alloc : memref<!tpu.dma_semaphore, #tpu.memory_space<semaphore_mem>>
        %dma_start3A_46 = arith.constant 0 : i32
        %dma_start3A_47 = tpu.memref_slice %arg11[%scan3A_30, %dma_start3A_46] : memref<79x128xi32, #tpu.memory_space<vmem>> -> memref<1x128xi32, #tpu.memory_space<vmem>>
        %dma_start3A_48 = tpu.memref_squeeze %dma_start3A_47 : memref<1x128xi32, #tpu.memory_space<vmem>> -> memref<128xi32, #tpu.memory_space<vmem>>
        %dma_start3A_49 = arith.constant 0 : i32
        %dma_start3A_50 = arith.constant 0 : i32
        %dma_start3A_51 = tpu.memref_slice %arg14[%dma_start3A_49, %dma_start3A_50] : memref<10112x64xf32, #tpu.memory_space<vmem_shared>> -> memref<10112x64xf32, #tpu.memory_space<vmem_shared>>
        tpu.enqueue_indirect_dma source(%arg12 : memref<128x64xf32, #tpu.memory_space<vmem>>) target(%dma_start3A_51 : memref<10112x64xf32, #tpu.memory_space<vmem_shared>>) offsets(%dma_start3A_48 : memref<128xi32, #tpu.memory_space<vmem>>) semaphore(%run_scoped3A : memref<!tpu.dma_semaphore, #tpu.memory_space<semaphore_mem>>) {add = true}
        %dma_wait3A_52 = arith.constant 0 : i32
        %dma_wait3A_53 = tpu.memref_slice %arg11[%scan3A_30, %dma_wait3A_52] : memref<79x128xi32, #tpu.memory_space<vmem>> -> memref<1x128xi32, #tpu.memory_space<vmem>>
        %dma_wait3A_54 = tpu.memref_squeeze %dma_wait3A_53 : memref<1x128xi32, #tpu.memory_space<vmem>> -> memref<128xi32, #tpu.memory_space<vmem>>
        %dma_wait3A_55 = arith.constant 0 : i32
        %dma_wait3A_56 = arith.constant 0 : i32
        %dma_wait3A_57 = tpu.memref_slice %arg14[%dma_wait3A_55, %dma_wait3A_56] : memref<10112x64xf32, #tpu.memory_space<vmem_shared>> -> memref<10112x64xf32, #tpu.memory_space<vmem_shared>>
        tpu.wait_indirect_dma semaphore(%run_scoped3A : memref<!tpu.dma_semaphore, #tpu.memory_space<semaphore_mem>>) src(%arg12 : memref<128x64xf32, #tpu.memory_space<vmem>>) dst(%dma_wait3A_57 : memref<10112x64xf32, #tpu.memory_space<vmem_shared>>)
        tpu.yield
      }) : () -> ()
      %eq3A_41 = arith.constant 0 : i32
      %eq3A_42 = arith.cmpi eq, %arg0, %eq3A_41 : i32
      %convert_element_type3A_43 = arith.extui %eq3A_42 : i1 to i32
      %cond3A_44 = arith.constant 0 : i32
      %cond3A_45 = arith.cmpi ne, %convert_element_type3A_43, %cond3A_44 : i32
      scf.if %cond3A_45 {
        "tpu.region"() ({
          %run_scoped3A = tpu.sem_alloc : memref<!tpu.dma_semaphore, #tpu.memory_space<semaphore_mem>>
          %dma_start3A_46 = arith.constant 0 : i32
          %dma_start3A_47 = tpu.memref_slice %arg11[%scan3A_30, %dma_start3A_46] : memref<79x128xi32, #tpu.memory_space<vmem>> -> memref<1x128xi32, #tpu.memory_space<vmem>>
          %dma_start3A_48 = tpu.memref_squeeze %dma_start3A_47 : memref<1x128xi32, #tpu.memory_space<vmem>> -> memref<128xi32, #tpu.memory_space<vmem>>
          %dma_start3A_49 = arith.constant 0 : i32
          %dma_start3A_50 = arith.constant 0 : i32
          %dma_start3A_51 = tpu.memref_slice %arg15[%dma_start3A_49, %dma_start3A_50] : memref<10112x8xf32, #tpu.memory_space<vmem_shared>> -> memref<10112x8xf32, #tpu.memory_space<vmem_shared>>
          tpu.enqueue_indirect_dma source(%arg13 : memref<128x8xf32, #tpu.memory_space<vmem>>) target(%dma_start3A_51 : memref<10112x8xf32, #tpu.memory_space<vmem_shared>>) offsets(%dma_start3A_48 : memref<128xi32, #tpu.memory_space<vmem>>) semaphore(%run_scoped3A : memref<!tpu.dma_semaphore, #tpu.memory_space<semaphore_mem>>) {add = true}
          %dma_wait3A_52 = arith.constant 0 : i32
          %dma_wait3A_53 = tpu.memref_slice %arg11[%scan3A_30, %dma_wait3A_52] : memref<79x128xi32, #tpu.memory_space<vmem>> -> memref<1x128xi32, #tpu.memory_space<vmem>>
          %dma_wait3A_54 = tpu.memref_squeeze %dma_wait3A_53 : memref<1x128xi32, #tpu.memory_space<vmem>> -> memref<128xi32, #tpu.memory_space<vmem>>
          %dma_wait3A_55 = arith.constant 0 : i32
          %dma_wait3A_56 = arith.constant 0 : i32
          %dma_wait3A_57 = tpu.memref_slice %arg15[%dma_wait3A_55, %dma_wait3A_56] : memref<10112x8xf32, #tpu.memory_space<vmem_shared>> -> memref<10112x8xf32, #tpu.memory_space<vmem_shared>>
          tpu.wait_indirect_dma semaphore(%run_scoped3A : memref<!tpu.dma_semaphore, #tpu.memory_space<semaphore_mem>>) src(%arg13 : memref<128x8xf32, #tpu.memory_space<vmem>>) dst(%dma_wait3A_57 : memref<10112x8xf32, #tpu.memory_space<vmem_shared>>)
          tpu.yield
        }) : () -> ()
      } else {
      }
    }
    %scan3A_13 = arith.constant 79 : i32
    %barrier3A_14 = arith.constant 0 : index
    tpu.barrier barrier_id(%barrier3A_14)
    "tpu.region"() ({
      %run_scoped3A = tpu.sem_alloc : memref<!tpu.dma_semaphore, #tpu.memory_space<semaphore_mem>>
      %dma_start3A = arith.constant 0 : i32
      %dma_start3A_30 = tpu.memref_slice %arg8[%add3A_3, %mul3A_0, %dma_start3A] : memref<4x10112x64xf32, #tpu.memory_space<hbm>> -> memref<1x632x64xf32, #tpu.memory_space<hbm>>
      %dma_start3A_31 = tpu.memref_squeeze %dma_start3A_30 : memref<1x632x64xf32, #tpu.memory_space<hbm>> -> memref<632x64xf32, #tpu.memory_space<hbm>>
      %dma_start3A_32 = arith.constant 0 : i32
      %dma_start3A_33 = tpu.memref_slice %arg14[%mul3A_0, %dma_start3A_32] : memref<10112x64xf32, #tpu.memory_space<vmem_shared>> -> memref<632x64xf32, #tpu.memory_space<vmem_shared>>
      tpu.enqueue_dma source(%dma_start3A_33 : memref<632x64xf32, #tpu.memory_space<vmem_shared>>) target(%dma_start3A_31 : memref<632x64xf32, #tpu.memory_space<hbm>>) target_semaphore(%run_scoped3A : memref<!tpu.dma_semaphore, #tpu.memory_space<semaphore_mem>>)
      %dma_wait3A = arith.constant 0 : i32
      %dma_wait3A_34 = tpu.memref_slice %arg8[%add3A_3, %mul3A_0, %dma_wait3A] : memref<4x10112x64xf32, #tpu.memory_space<hbm>> -> memref<1x632x64xf32, #tpu.memory_space<hbm>>
      %dma_wait3A_35 = tpu.memref_squeeze %dma_wait3A_34 : memref<1x632x64xf32, #tpu.memory_space<hbm>> -> memref<632x64xf32, #tpu.memory_space<hbm>>
      %dma_wait3A_36 = arith.constant 0 : i32
      %dma_wait3A_37 = tpu.memref_slice %arg14[%mul3A_0, %dma_wait3A_36] : memref<10112x64xf32, #tpu.memory_space<vmem_shared>> -> memref<632x64xf32, #tpu.memory_space<vmem_shared>>
      tpu.wait_dma2 semaphore(%run_scoped3A : memref<!tpu.dma_semaphore, #tpu.memory_space<semaphore_mem>>) src(%dma_wait3A_37 : memref<632x64xf32, #tpu.memory_space<vmem_shared>>) dst(%dma_wait3A_35 : memref<632x64xf32, #tpu.memory_space<hbm>>)
      tpu.yield
    }) : () -> ()
    %eq3A_15 = arith.constant 0 : i32
    %eq3A_16 = arith.cmpi eq, %arg0, %eq3A_15 : i32
    %convert_element_type3A_17 = arith.extui %eq3A_16 : i1 to i32
    %cond3A_18 = arith.constant 0 : i32
    %cond3A_19 = arith.cmpi ne, %convert_element_type3A_17, %cond3A_18 : i32
    scf.if %cond3A_19 {
      "tpu.region"() ({
        %run_scoped3A = tpu.sem_alloc : memref<!tpu.dma_semaphore, #tpu.memory_space<semaphore_mem>>
        %dma_start3A = arith.constant 0 : i32
        %dma_start3A_30 = tpu.memref_slice %arg9[%mul3A_0, %dma_start3A] : memref<10112x8xf32, #tpu.memory_space<hbm>> -> memref<632x8xf32, #tpu.memory_space<hbm>>
        %dma_start3A_31 = arith.constant 0 : i32
        %dma_start3A_32 = tpu.memref_slice %arg15[%mul3A_0, %dma_start3A_31] : memref<10112x8xf32, #tpu.memory_space<vmem_shared>> -> memref<632x8xf32, #tpu.memory_space<vmem_shared>>
        tpu.enqueue_dma source(%dma_start3A_32 : memref<632x8xf32, #tpu.memory_space<vmem_shared>>) target(%dma_start3A_30 : memref<632x8xf32, #tpu.memory_space<hbm>>) target_semaphore(%run_scoped3A : memref<!tpu.dma_semaphore, #tpu.memory_space<semaphore_mem>>)
        %dma_wait3A = arith.constant 0 : i32
        %dma_wait3A_33 = tpu.memref_slice %arg9[%mul3A_0, %dma_wait3A] : memref<10112x8xf32, #tpu.memory_space<hbm>> -> memref<632x8xf32, #tpu.memory_space<hbm>>
        %dma_wait3A_34 = arith.constant 0 : i32
        %dma_wait3A_35 = tpu.memref_slice %arg15[%mul3A_0, %dma_wait3A_34] : memref<10112x8xf32, #tpu.memory_space<vmem_shared>> -> memref<632x8xf32, #tpu.memory_space<vmem_shared>>
        tpu.wait_dma2 semaphore(%run_scoped3A : memref<!tpu.dma_semaphore, #tpu.memory_space<semaphore_mem>>) src(%dma_wait3A_35 : memref<632x8xf32, #tpu.memory_space<vmem_shared>>) dst(%dma_wait3A_33 : memref<632x8xf32, #tpu.memory_space<hbm>>)
        tpu.yield
      }) : () -> ()
    } else {
    }
    %add3A_20 = arith.constant 2 : i32
    %add3A_21 = arith.addi %add3A_20, %arg0 : i32
    "tpu.region"() ({
      %run_scoped3A = tpu.sem_alloc : memref<!tpu.dma_semaphore, #tpu.memory_space<semaphore_mem>>
      %dma_start3A = arith.constant 0 : i32
      %dma_start3A_30 = tpu.memref_slice %arg14[%mul3A_0, %dma_start3A] : memref<10112x64xf32, #tpu.memory_space<vmem_shared>> -> memref<632x64xf32, #tpu.memory_space<vmem_shared>>
      %dma_start3A_31 = arith.constant 0 : i32
      %dma_start3A_32 = tpu.memref_slice %arg5[%mul3A_0, %dma_start3A_31] : memref<10112x64xf32, #tpu.memory_space<hbm>> -> memref<632x64xf32, #tpu.memory_space<hbm>>
      tpu.enqueue_dma source(%dma_start3A_32 : memref<632x64xf32, #tpu.memory_space<hbm>>) target(%dma_start3A_30 : memref<632x64xf32, #tpu.memory_space<vmem_shared>>) target_semaphore(%run_scoped3A : memref<!tpu.dma_semaphore, #tpu.memory_space<semaphore_mem>>)
      %dma_wait3A = arith.constant 0 : i32
      %dma_wait3A_33 = tpu.memref_slice %arg14[%mul3A_0, %dma_wait3A] : memref<10112x64xf32, #tpu.memory_space<vmem_shared>> -> memref<632x64xf32, #tpu.memory_space<vmem_shared>>
      %dma_wait3A_34 = arith.constant 0 : i32
      %dma_wait3A_35 = tpu.memref_slice %arg5[%mul3A_0, %dma_wait3A_34] : memref<10112x64xf32, #tpu.memory_space<hbm>> -> memref<632x64xf32, #tpu.memory_space<hbm>>
      tpu.wait_dma2 semaphore(%run_scoped3A : memref<!tpu.dma_semaphore, #tpu.memory_space<semaphore_mem>>) src(%dma_wait3A_35 : memref<632x64xf32, #tpu.memory_space<hbm>>) dst(%dma_wait3A_33 : memref<632x64xf32, #tpu.memory_space<vmem_shared>>)
      tpu.yield
    }) : () -> ()
    "tpu.region"() ({
      %run_scoped3A = tpu.sem_alloc : memref<!tpu.dma_semaphore, #tpu.memory_space<semaphore_mem>>
      %dma_start3A = arith.constant 0 : i32
      %dma_start3A_30 = arith.constant 0 : i32
      %dma_start3A_31 = tpu.memref_slice %arg3[%add3A_21, %arg1, %dma_start3A, %dma_start3A_30] : memref<4x16x79x128xi32, #tpu.memory_space<hbm>> -> memref<1x1x79x128xi32, #tpu.memory_space<hbm>>
      %dma_start3A_32 = tpu.memref_squeeze %dma_start3A_31 : memref<1x1x79x128xi32, #tpu.memory_space<hbm>> -> memref<79x128xi32, #tpu.memory_space<hbm>>
      %dma_start3A_33 = arith.constant 0 : i32
      %dma_start3A_34 = arith.constant 0 : i32
      %dma_start3A_35 = tpu.memref_slice %arg3[%add3A_21, %arg1, %dma_start3A_33, %dma_start3A_34] : memref<4x16x79x128xi32, #tpu.memory_space<hbm>> -> memref<1x1x79x128xi32, #tpu.memory_space<hbm>>
      %dma_start3A_36 = tpu.memref_squeeze %dma_start3A_35 : memref<1x1x79x128xi32, #tpu.memory_space<hbm>> -> memref<79x128xi32, #tpu.memory_space<hbm>>
      tpu.enqueue_dma source(%dma_start3A_36 : memref<79x128xi32, #tpu.memory_space<hbm>>) target(%arg10 : memref<79x128xi32, #tpu.memory_space<vmem>>) target_semaphore(%run_scoped3A : memref<!tpu.dma_semaphore, #tpu.memory_space<semaphore_mem>>)
      %dma_wait3A = arith.constant 0 : i32
      %dma_wait3A_37 = arith.constant 0 : i32
      %dma_wait3A_38 = tpu.memref_slice %arg3[%add3A_21, %arg1, %dma_wait3A, %dma_wait3A_37] : memref<4x16x79x128xi32, #tpu.memory_space<hbm>> -> memref<1x1x79x128xi32, #tpu.memory_space<hbm>>
      %dma_wait3A_39 = tpu.memref_squeeze %dma_wait3A_38 : memref<1x1x79x128xi32, #tpu.memory_space<hbm>> -> memref<79x128xi32, #tpu.memory_space<hbm>>
      %dma_wait3A_40 = arith.constant 0 : i32
      %dma_wait3A_41 = arith.constant 0 : i32
      %dma_wait3A_42 = tpu.memref_slice %arg3[%add3A_21, %arg1, %dma_wait3A_40, %dma_wait3A_41] : memref<4x16x79x128xi32, #tpu.memory_space<hbm>> -> memref<1x1x79x128xi32, #tpu.memory_space<hbm>>
      %dma_wait3A_43 = tpu.memref_squeeze %dma_wait3A_42 : memref<1x1x79x128xi32, #tpu.memory_space<hbm>> -> memref<79x128xi32, #tpu.memory_space<hbm>>
      tpu.wait_dma2 semaphore(%run_scoped3A : memref<!tpu.dma_semaphore, #tpu.memory_space<semaphore_mem>>) src(%dma_wait3A_43 : memref<79x128xi32, #tpu.memory_space<hbm>>) dst(%arg10 : memref<79x128xi32, #tpu.memory_space<vmem>>)
      tpu.yield
    }) : () -> ()
    %barrier3A_22 = arith.constant 0 : index
    tpu.barrier barrier_id(%barrier3A_22)
    %scan3A_23 = arith.constant 0 : i32
    %scan3A_24 = arith.constant 0 : i32
    %scan3A_25 = arith.constant 79 : i32
    %scan3A_26 = arith.addi %scan3A_24, %scan3A_25 : i32
    %scan3A_27 = arith.constant 1 : i32
    scf.for %scan3A_30 = %scan3A_24 to %scan3A_26 step %scan3A_27  : i32 {
      %dma_start3A = arith.constant 0 : i32
      %dma_start3A_31 = tpu.memref_slice %arg10[%scan3A_30, %dma_start3A] : memref<79x128xi32, #tpu.memory_space<vmem>> -> memref<1x128xi32, #tpu.memory_space<vmem>>
      %dma_start3A_32 = tpu.memref_squeeze %dma_start3A_31 : memref<1x128xi32, #tpu.memory_space<vmem>> -> memref<128xi32, #tpu.memory_space<vmem>>
      %dma_start3A_33 = arith.constant 0 : i32
      %dma_start3A_34 = arith.constant 0 : i32
      %dma_start3A_35 = tpu.memref_slice %arg2[%dma_start3A_33, %dma_start3A_34] : memref<40000x64xf32, #tpu.memory_space<hbm>> -> memref<40000x64xf32, #tpu.memory_space<hbm>>
      tpu.enqueue_indirect_dma source(%dma_start3A_35 : memref<40000x64xf32, #tpu.memory_space<hbm>>) target(%arg12 : memref<128x64xf32, #tpu.memory_space<vmem>>) offsets(%dma_start3A_32 : memref<128xi32, #tpu.memory_space<vmem>>) semaphore(%arg16 : memref<!tpu.dma_semaphore, #tpu.memory_space<semaphore_mem>>)
      %dma_wait3A = arith.constant 0 : i32
      %dma_wait3A_36 = tpu.memref_slice %arg10[%scan3A_30, %dma_wait3A] : memref<79x128xi32, #tpu.memory_space<vmem>> -> memref<1x128xi32, #tpu.memory_space<vmem>>
      %dma_wait3A_37 = tpu.memref_squeeze %dma_wait3A_36 : memref<1x128xi32, #tpu.memory_space<vmem>> -> memref<128xi32, #tpu.memory_space<vmem>>
      %dma_wait3A_38 = arith.constant 0 : i32
      %dma_wait3A_39 = arith.constant 0 : i32
      %dma_wait3A_40 = tpu.memref_slice %arg2[%dma_wait3A_38, %dma_wait3A_39] : memref<40000x64xf32, #tpu.memory_space<hbm>> -> memref<40000x64xf32, #tpu.memory_space<hbm>>
      tpu.wait_indirect_dma semaphore(%arg16 : memref<!tpu.dma_semaphore, #tpu.memory_space<semaphore_mem>>) src(%dma_wait3A_40 : memref<40000x64xf32, #tpu.memory_space<hbm>>) dst(%arg12 : memref<128x64xf32, #tpu.memory_space<vmem>>)
      "tpu.region"() ({
        %run_scoped3A = tpu.sem_alloc : memref<!tpu.dma_semaphore, #tpu.memory_space<semaphore_mem>>
        %dma_start3A_41 = arith.constant 0 : i32
        %dma_start3A_42 = tpu.memref_slice %arg11[%scan3A_30, %dma_start3A_41] : memref<79x128xi32, #tpu.memory_space<vmem>> -> memref<1x128xi32, #tpu.memory_space<vmem>>
        %dma_start3A_43 = tpu.memref_squeeze %dma_start3A_42 : memref<1x128xi32, #tpu.memory_space<vmem>> -> memref<128xi32, #tpu.memory_space<vmem>>
        %dma_start3A_44 = arith.constant 0 : i32
        %dma_start3A_45 = arith.constant 0 : i32
        %dma_start3A_46 = tpu.memref_slice %arg14[%dma_start3A_44, %dma_start3A_45] : memref<10112x64xf32, #tpu.memory_space<vmem_shared>> -> memref<10112x64xf32, #tpu.memory_space<vmem_shared>>
        tpu.enqueue_indirect_dma source(%arg12 : memref<128x64xf32, #tpu.memory_space<vmem>>) target(%dma_start3A_46 : memref<10112x64xf32, #tpu.memory_space<vmem_shared>>) offsets(%dma_start3A_43 : memref<128xi32, #tpu.memory_space<vmem>>) semaphore(%run_scoped3A : memref<!tpu.dma_semaphore, #tpu.memory_space<semaphore_mem>>) {add = true}
        %dma_wait3A_47 = arith.constant 0 : i32
        %dma_wait3A_48 = tpu.memref_slice %arg11[%scan3A_30, %dma_wait3A_47] : memref<79x128xi32, #tpu.memory_space<vmem>> -> memref<1x128xi32, #tpu.memory_space<vmem>>
        %dma_wait3A_49 = tpu.memref_squeeze %dma_wait3A_48 : memref<1x128xi32, #tpu.memory_space<vmem>> -> memref<128xi32, #tpu.memory_space<vmem>>
        %dma_wait3A_50 = arith.constant 0 : i32
        %dma_wait3A_51 = arith.constant 0 : i32
        %dma_wait3A_52 = tpu.memref_slice %arg14[%dma_wait3A_50, %dma_wait3A_51] : memref<10112x64xf32, #tpu.memory_space<vmem_shared>> -> memref<10112x64xf32, #tpu.memory_space<vmem_shared>>
        tpu.wait_indirect_dma semaphore(%run_scoped3A : memref<!tpu.dma_semaphore, #tpu.memory_space<semaphore_mem>>) src(%arg12 : memref<128x64xf32, #tpu.memory_space<vmem>>) dst(%dma_wait3A_52 : memref<10112x64xf32, #tpu.memory_space<vmem_shared>>)
        tpu.yield
      }) : () -> ()
    }
    %scan3A_28 = arith.constant 79 : i32
    %barrier3A_29 = arith.constant 0 : index
    tpu.barrier barrier_id(%barrier3A_29)
    "tpu.region"() ({
      %run_scoped3A = tpu.sem_alloc : memref<!tpu.dma_semaphore, #tpu.memory_space<semaphore_mem>>
      %dma_start3A = arith.constant 0 : i32
      %dma_start3A_30 = tpu.memref_slice %arg8[%add3A_21, %mul3A_0, %dma_start3A] : memref<4x10112x64xf32, #tpu.memory_space<hbm>> -> memref<1x632x64xf32, #tpu.memory_space<hbm>>
      %dma_start3A_31 = tpu.memref_squeeze %dma_start3A_30 : memref<1x632x64xf32, #tpu.memory_space<hbm>> -> memref<632x64xf32, #tpu.memory_space<hbm>>
      %dma_start3A_32 = arith.constant 0 : i32
      %dma_start3A_33 = tpu.memref_slice %arg14[%mul3A_0, %dma_start3A_32] : memref<10112x64xf32, #tpu.memory_space<vmem_shared>> -> memref<632x64xf32, #tpu.memory_space<vmem_shared>>
      tpu.enqueue_dma source(%dma_start3A_33 : memref<632x64xf32, #tpu.memory_space<vmem_shared>>) target(%dma_start3A_31 : memref<632x64xf32, #tpu.memory_space<hbm>>) target_semaphore(%run_scoped3A : memref<!tpu.dma_semaphore, #tpu.memory_space<semaphore_mem>>)
      %dma_wait3A = arith.constant 0 : i32
      %dma_wait3A_34 = tpu.memref_slice %arg8[%add3A_21, %mul3A_0, %dma_wait3A] : memref<4x10112x64xf32, #tpu.memory_space<hbm>> -> memref<1x632x64xf32, #tpu.memory_space<hbm>>
      %dma_wait3A_35 = tpu.memref_squeeze %dma_wait3A_34 : memref<1x632x64xf32, #tpu.memory_space<hbm>> -> memref<632x64xf32, #tpu.memory_space<hbm>>
      %dma_wait3A_36 = arith.constant 0 : i32
      %dma_wait3A_37 = tpu.memref_slice %arg14[%mul3A_0, %dma_wait3A_36] : memref<10112x64xf32, #tpu.memory_space<vmem_shared>> -> memref<632x64xf32, #tpu.memory_space<vmem_shared>>
      tpu.wait_dma2 semaphore(%run_scoped3A : memref<!tpu.dma_semaphore, #tpu.memory_space<semaphore_mem>>) src(%dma_wait3A_37 : memref<632x64xf32, #tpu.memory_space<vmem_shared>>) dst(%dma_wait3A_35 : memref<632x64xf32, #tpu.memory_space<hbm>>)
      tpu.yield
    }) : () -> ()
    return
  }
}

#map = affine_map<(d0, d1) -> (0, 0)>
#map1 = affine_map<(d0, d1) -> (0, 0, 0, 0)>
#map2 = affine_map<(d0, d1) -> (0, 0, 0)>
module attributes {stable_mosaic.version = 14 : i64} {
  func.func @_sc_body(%arg0: i32, %arg1: i32, %arg2: memref<40000x64xf32, #tpu.memory_space<hbm>>, %arg3: memref<4x16x79x128xi32, #tpu.memory_space<hbm>>, %arg4: memref<16x79x128xi32, #tpu.memory_space<hbm>>, %arg5: memref<10112x64xf32, #tpu.memory_space<hbm>>, %arg6: memref<10112x8xf32, #tpu.memory_space<hbm>>, %arg7: memref<128x8xf32, #tpu.memory_space<hbm>>, %arg8: memref<4x10112x64xf32, #tpu.memory_space<hbm>>, %arg9: memref<10112x8xf32, #tpu.memory_space<hbm>>, %arg10: memref<79x128xi32, #tpu.memory_space<vmem>>, %arg11: memref<79x128xi32, #tpu.memory_space<vmem>>, %arg12: memref<128x64xf32, #tpu.memory_space<vmem>>, %arg13: memref<128x8xf32, #tpu.memory_space<vmem>>, %arg14: memref<10112x64xf32, #tpu.memory_space<vmem_shared>>, %arg15: memref<10112x8xf32, #tpu.memory_space<vmem_shared>>, %arg16: memref<!tpu.dma_semaphore, #tpu.memory_space<semaphore_mem>>) attributes {dimension_semantics = [#tpu.dimension_semantics<core_parallel>, #tpu.dimension_semantics<subcore_parallel>], iteration_bounds = array<i64: 2, 16>, scalar_prefetch = 0 : i64, scratch_operands = 7 : i64, tpu.core_type = #tpu.core_type<sc_vector_subcore>, window_params = [{transform_indices = #map}, {transform_indices = #map1}, {transform_indices = #map2}, {transform_indices = #map}, {transform_indices = #map}, {transform_indices = #map}, {transform_indices = #map2}, {transform_indices = #map}]} {
    %mul3A = arith.constant 632 : i32
    %mul3A_0 = arith.muli %arg1, %mul3A : i32
    %eq3A = arith.constant 0 : i32
    %eq3A_1 = arith.cmpi eq, %arg0, %eq3A : i32
    %convert_element_type3A = arith.extui %eq3A_1 : i1 to i32
    %cond3A = arith.constant 0 : i32
    %cond3A_2 = arith.cmpi ne, %convert_element_type3A, %cond3A : i32
    scf.if %cond3A_2 {
      "tpu.region"() ({
        %run_scoped3A = tpu.sem_alloc : memref<!tpu.dma_semaphore, #tpu.memory_space<semaphore_mem>>
        tpu.enqueue_dma source(%arg7 : memref<128x8xf32, #tpu.memory_space<hbm>>) target(%arg13 : memref<128x8xf32, #tpu.memory_space<vmem>>) target_semaphore(%run_scoped3A : memref<!tpu.dma_semaphore, #tpu.memory_space<semaphore_mem>>)
        tpu.wait_dma2 semaphore(%run_scoped3A : memref<!tpu.dma_semaphore, #tpu.memory_space<semaphore_mem>>) src(%arg7 : memref<128x8xf32, #tpu.memory_space<hbm>>) dst(%arg13 : memref<128x8xf32, #tpu.memory_space<vmem>>)
        tpu.yield
      }) : () -> ()
    } else {
    }
    "tpu.region"() ({
      %run_scoped3A = tpu.sem_alloc : memref<!tpu.dma_semaphore, #tpu.memory_space<semaphore_mem>>
      %dma_start3A = arith.constant 0 : i32
      %dma_start3A_30 = arith.constant 0 : i32
      %dma_start3A_31 = tpu.memref_slice %arg4[%arg1, %dma_start3A, %dma_start3A_30] : memref<16x79x128xi32, #tpu.memory_space<hbm>> -> memref<1x79x128xi32, #tpu.memory_space<hbm>>
      %dma_start3A_32 = tpu.memref_squeeze %dma_start3A_31 : memref<1x79x128xi32, #tpu.memory_space<hbm>> -> memref<79x128xi32, #tpu.memory_space<hbm>>
      %dma_start3A_33 = arith.constant 0 : i32
      %dma_start3A_34 = arith.constant 0 : i32
      %dma_start3A_35 = tpu.memref_slice %arg4[%arg1, %dma_start3A_33, %dma_start3A_34] : memref<16x79x128xi32, #tpu.memory_space<hbm>> -> memref<1x79x128xi32, #tpu.memory_space<hbm>>
      %dma_start3A_36 = tpu.memref_squeeze %dma_start3A_35 : memref<1x79x128xi32, #tpu.memory_space<hbm>> -> memref<79x128xi32, #tpu.memory_space<hbm>>
      tpu.enqueue_dma source(%dma_start3A_36 : memref<79x128xi32, #tpu.memory_space<hbm>>) target(%arg11 : memref<79x128xi32, #tpu.memory_space<vmem>>) target_semaphore(%run_scoped3A : memref<!tpu.dma_semaphore, #tpu.memory_space<semaphore_mem>>)
      %dma_wait3A = arith.constant 0 : i32
      %dma_wait3A_37 = arith.constant 0 : i32
      %dma_wait3A_38 = tpu.memref_slice %arg4[%arg1, %dma_wait3A, %dma_wait3A_37] : memref<16x79x128xi32, #tpu.memory_space<hbm>> -> memref<1x79x128xi32, #tpu.memory_space<hbm>>
      %dma_wait3A_39 = tpu.memref_squeeze %dma_wait3A_38 : memref<1x79x128xi32, #tpu.memory_space<hbm>> -> memref<79x128xi32, #tpu.memory_space<hbm>>
      %dma_wait3A_40 = arith.constant 0 : i32
      %dma_wait3A_41 = arith.constant 0 : i32
      %dma_wait3A_42 = tpu.memref_slice %arg4[%arg1, %dma_wait3A_40, %dma_wait3A_41] : memref<16x79x128xi32, #tpu.memory_space<hbm>> -> memref<1x79x128xi32, #tpu.memory_space<hbm>>
      %dma_wait3A_43 = tpu.memref_squeeze %dma_wait3A_42 : memref<1x79x128xi32, #tpu.memory_space<hbm>> -> memref<79x128xi32, #tpu.memory_space<hbm>>
      tpu.wait_dma2 semaphore(%run_scoped3A : memref<!tpu.dma_semaphore, #tpu.memory_space<semaphore_mem>>) src(%dma_wait3A_43 : memref<79x128xi32, #tpu.memory_space<hbm>>) dst(%arg11 : memref<79x128xi32, #tpu.memory_space<vmem>>)
      tpu.yield
    }) : () -> ()
    %add3A = arith.constant 0 : i32
    %add3A_3 = arith.addi %add3A, %arg0 : i32
    "tpu.region"() ({
      %run_scoped3A = tpu.sem_alloc : memref<!tpu.dma_semaphore, #tpu.memory_space<semaphore_mem>>
      %dma_start3A = arith.constant 0 : i32
      %dma_start3A_30 = tpu.memref_slice %arg14[%mul3A_0, %dma_start3A] : memref<10112x64xf32, #tpu.memory_space<vmem_shared>> -> memref<632x64xf32, #tpu.memory_space<vmem_shared>>
      %dma_start3A_31 = arith.constant 0 : i32
      %dma_start3A_32 = tpu.memref_slice %arg5[%mul3A_0, %dma_start3A_31] : memref<10112x64xf32, #tpu.memory_space<hbm>> -> memref<632x64xf32, #tpu.memory_space<hbm>>
      tpu.enqueue_dma source(%dma_start3A_32 : memref<632x64xf32, #tpu.memory_space<hbm>>) target(%dma_start3A_30 : memref<632x64xf32, #tpu.memory_space<vmem_shared>>) target_semaphore(%run_scoped3A : memref<!tpu.dma_semaphore, #tpu.memory_space<semaphore_mem>>)
      %dma_wait3A = arith.constant 0 : i32
      %dma_wait3A_33 = tpu.memref_slice %arg14[%mul3A_0, %dma_wait3A] : memref<10112x64xf32, #tpu.memory_space<vmem_shared>> -> memref<632x64xf32, #tpu.memory_space<vmem_shared>>
      %dma_wait3A_34 = arith.constant 0 : i32
      %dma_wait3A_35 = tpu.memref_slice %arg5[%mul3A_0, %dma_wait3A_34] : memref<10112x64xf32, #tpu.memory_space<hbm>> -> memref<632x64xf32, #tpu.memory_space<hbm>>
      tpu.wait_dma2 semaphore(%run_scoped3A : memref<!tpu.dma_semaphore, #tpu.memory_space<semaphore_mem>>) src(%dma_wait3A_35 : memref<632x64xf32, #tpu.memory_space<hbm>>) dst(%dma_wait3A_33 : memref<632x64xf32, #tpu.memory_space<vmem_shared>>)
      tpu.yield
    }) : () -> ()
    %eq3A_4 = arith.constant 0 : i32
    %eq3A_5 = arith.cmpi eq, %arg0, %eq3A_4 : i32
    %convert_element_type3A_6 = arith.extui %eq3A_5 : i1 to i32
    %cond3A_7 = arith.constant 0 : i32
    %cond3A_8 = arith.cmpi ne, %convert_element_type3A_6, %cond3A_7 : i32
    scf.if %cond3A_8 {
      "tpu.region"() ({
        %run_scoped3A = tpu.sem_alloc : memref<!tpu.dma_semaphore, #tpu.memory_space<semaphore_mem>>
        %dma_start3A = arith.constant 0 : i32
        %dma_start3A_30 = tpu.memref_slice %arg15[%mul3A_0, %dma_start3A] : memref<10112x8xf32, #tpu.memory_space<vmem_shared>> -> memref<632x8xf32, #tpu.memory_space<vmem_shared>>
        %dma_start3A_31 = arith.constant 0 : i32
        %dma_start3A_32 = tpu.memref_slice %arg6[%mul3A_0, %dma_start3A_31] : memref<10112x8xf32, #tpu.memory_space<hbm>> -> memref<632x8xf32, #tpu.memory_space<hbm>>
        tpu.enqueue_dma source(%dma_start3A_32 : memref<632x8xf32, #tpu.memory_space<hbm>>) target(%dma_start3A_30 : memref<632x8xf32, #tpu.memory_space<vmem_shared>>) target_semaphore(%run_scoped3A : memref<!tpu.dma_semaphore, #tpu.memory_space<semaphore_mem>>)
        %dma_wait3A = arith.constant 0 : i32
        %dma_wait3A_33 = tpu.memref_slice %arg15[%mul3A_0, %dma_wait3A] : memref<10112x8xf32, #tpu.memory_space<vmem_shared>> -> memref<632x8xf32, #tpu.memory_space<vmem_shared>>
        %dma_wait3A_34 = arith.constant 0 : i32
        %dma_wait3A_35 = tpu.memref_slice %arg6[%mul3A_0, %dma_wait3A_34] : memref<10112x8xf32, #tpu.memory_space<hbm>> -> memref<632x8xf32, #tpu.memory_space<hbm>>
        tpu.wait_dma2 semaphore(%run_scoped3A : memref<!tpu.dma_semaphore, #tpu.memory_space<semaphore_mem>>) src(%dma_wait3A_35 : memref<632x8xf32, #tpu.memory_space<hbm>>) dst(%dma_wait3A_33 : memref<632x8xf32, #tpu.memory_space<vmem_shared>>)
        tpu.yield
      }) : () -> ()
    } else {
    }
    "tpu.region"() ({
      %run_scoped3A = tpu.sem_alloc : memref<!tpu.dma_semaphore, #tpu.memory_space<semaphore_mem>>
      %dma_start3A = arith.constant 0 : i32
      %dma_start3A_30 = arith.constant 0 : i32
      %dma_start3A_31 = tpu.memref_slice %arg3[%add3A_3, %arg1, %dma_start3A, %dma_start3A_30] : memref<4x16x79x128xi32, #tpu.memory_space<hbm>> -> memref<1x1x79x128xi32, #tpu.memory_space<hbm>>
      %dma_start3A_32 = tpu.memref_squeeze %dma_start3A_31 : memref<1x1x79x128xi32, #tpu.memory_space<hbm>> -> memref<79x128xi32, #tpu.memory_space<hbm>>
      %dma_start3A_33 = arith.constant 0 : i32
      %dma_start3A_34 = arith.constant 0 : i32
      %dma_start3A_35 = tpu.memref_slice %arg3[%add3A_3, %arg1, %dma_start3A_33, %dma_start3A_34] : memref<4x16x79x128xi32, #tpu.memory_space<hbm>> -> memref<1x1x79x128xi32, #tpu.memory_space<hbm>>
      %dma_start3A_36 = tpu.memref_squeeze %dma_start3A_35 : memref<1x1x79x128xi32, #tpu.memory_space<hbm>> -> memref<79x128xi32, #tpu.memory_space<hbm>>
      tpu.enqueue_dma source(%dma_start3A_36 : memref<79x128xi32, #tpu.memory_space<hbm>>) target(%arg10 : memref<79x128xi32, #tpu.memory_space<vmem>>) target_semaphore(%run_scoped3A : memref<!tpu.dma_semaphore, #tpu.memory_space<semaphore_mem>>)
      %dma_wait3A = arith.constant 0 : i32
      %dma_wait3A_37 = arith.constant 0 : i32
      %dma_wait3A_38 = tpu.memref_slice %arg3[%add3A_3, %arg1, %dma_wait3A, %dma_wait3A_37] : memref<4x16x79x128xi32, #tpu.memory_space<hbm>> -> memref<1x1x79x128xi32, #tpu.memory_space<hbm>>
      %dma_wait3A_39 = tpu.memref_squeeze %dma_wait3A_38 : memref<1x1x79x128xi32, #tpu.memory_space<hbm>> -> memref<79x128xi32, #tpu.memory_space<hbm>>
      %dma_wait3A_40 = arith.constant 0 : i32
      %dma_wait3A_41 = arith.constant 0 : i32
      %dma_wait3A_42 = tpu.memref_slice %arg3[%add3A_3, %arg1, %dma_wait3A_40, %dma_wait3A_41] : memref<4x16x79x128xi32, #tpu.memory_space<hbm>> -> memref<1x1x79x128xi32, #tpu.memory_space<hbm>>
      %dma_wait3A_43 = tpu.memref_squeeze %dma_wait3A_42 : memref<1x1x79x128xi32, #tpu.memory_space<hbm>> -> memref<79x128xi32, #tpu.memory_space<hbm>>
      tpu.wait_dma2 semaphore(%run_scoped3A : memref<!tpu.dma_semaphore, #tpu.memory_space<semaphore_mem>>) src(%dma_wait3A_43 : memref<79x128xi32, #tpu.memory_space<hbm>>) dst(%arg10 : memref<79x128xi32, #tpu.memory_space<vmem>>)
      tpu.yield
    }) : () -> ()
    %barrier3A = arith.constant 0 : index
    tpu.barrier barrier_id(%barrier3A)
    %scan3A = arith.constant 0 : i32
    %scan3A_9 = arith.constant 0 : i32
    %scan3A_10 = arith.constant 79 : i32
    %scan3A_11 = arith.addi %scan3A_9, %scan3A_10 : i32
    %scan3A_12 = arith.constant 1 : i32
    scf.for %scan3A_30 = %scan3A_9 to %scan3A_11 step %scan3A_12  : i32 {
      %dma_start3A = arith.constant 0 : i32
      %dma_start3A_31 = tpu.memref_slice %arg10[%scan3A_30, %dma_start3A] : memref<79x128xi32, #tpu.memory_space<vmem>> -> memref<1x128xi32, #tpu.memory_space<vmem>>
      %dma_start3A_32 = tpu.memref_squeeze %dma_start3A_31 : memref<1x128xi32, #tpu.memory_space<vmem>> -> memref<128xi32, #tpu.memory_space<vmem>>
      %dma_start3A_33 = arith.constant 0 : i32
      %dma_start3A_34 = arith.constant 0 : i32
      %dma_start3A_35 = tpu.memref_slice %arg2[%dma_start3A_33, %dma_start3A_34] : memref<40000x64xf32, #tpu.memory_space<hbm>> -> memref<40000x64xf32, #tpu.memory_space<hbm>>
      tpu.enqueue_indirect_dma source(%dma_start3A_35 : memref<40000x64xf32, #tpu.memory_space<hbm>>) target(%arg12 : memref<128x64xf32, #tpu.memory_space<vmem>>) offsets(%dma_start3A_32 : memref<128xi32, #tpu.memory_space<vmem>>) semaphore(%arg16 : memref<!tpu.dma_semaphore, #tpu.memory_space<semaphore_mem>>)
      %dma_wait3A = arith.constant 0 : i32
      %dma_wait3A_36 = tpu.memref_slice %arg10[%scan3A_30, %dma_wait3A] : memref<79x128xi32, #tpu.memory_space<vmem>> -> memref<1x128xi32, #tpu.memory_space<vmem>>
      %dma_wait3A_37 = tpu.memref_squeeze %dma_wait3A_36 : memref<1x128xi32, #tpu.memory_space<vmem>> -> memref<128xi32, #tpu.memory_space<vmem>>
      %dma_wait3A_38 = arith.constant 0 : i32
      %dma_wait3A_39 = arith.constant 0 : i32
      %dma_wait3A_40 = tpu.memref_slice %arg2[%dma_wait3A_38, %dma_wait3A_39] : memref<40000x64xf32, #tpu.memory_space<hbm>> -> memref<40000x64xf32, #tpu.memory_space<hbm>>
      tpu.wait_indirect_dma semaphore(%arg16 : memref<!tpu.dma_semaphore, #tpu.memory_space<semaphore_mem>>) src(%dma_wait3A_40 : memref<40000x64xf32, #tpu.memory_space<hbm>>) dst(%arg12 : memref<128x64xf32, #tpu.memory_space<vmem>>)
      "tpu.region"() ({
        %run_scoped3A = tpu.sem_alloc : memref<!tpu.dma_semaphore, #tpu.memory_space<semaphore_mem>>
        %dma_start3A_46 = arith.constant 0 : i32
        %dma_start3A_47 = tpu.memref_slice %arg11[%scan3A_30, %dma_start3A_46] : memref<79x128xi32, #tpu.memory_space<vmem>> -> memref<1x128xi32, #tpu.memory_space<vmem>>
        %dma_start3A_48 = tpu.memref_squeeze %dma_start3A_47 : memref<1x128xi32, #tpu.memory_space<vmem>> -> memref<128xi32, #tpu.memory_space<vmem>>
        %dma_start3A_49 = arith.constant 0 : i32
        %dma_start3A_50 = arith.constant 0 : i32
        %dma_start3A_51 = tpu.memref_slice %arg14[%dma_start3A_49, %dma_start3A_50] : memref<10112x64xf32, #tpu.memory_space<vmem_shared>> -> memref<10112x64xf32, #tpu.memory_space<vmem_shared>>
        tpu.enqueue_indirect_dma source(%arg12 : memref<128x64xf32, #tpu.memory_space<vmem>>) target(%dma_start3A_51 : memref<10112x64xf32, #tpu.memory_space<vmem_shared>>) offsets(%dma_start3A_48 : memref<128xi32, #tpu.memory_space<vmem>>) semaphore(%run_scoped3A : memref<!tpu.dma_semaphore, #tpu.memory_space<semaphore_mem>>) {add = true}
        %dma_wait3A_52 = arith.constant 0 : i32
        %dma_wait3A_53 = tpu.memref_slice %arg11[%scan3A_30, %dma_wait3A_52] : memref<79x128xi32, #tpu.memory_space<vmem>> -> memref<1x128xi32, #tpu.memory_space<vmem>>
        %dma_wait3A_54 = tpu.memref_squeeze %dma_wait3A_53 : memref<1x128xi32, #tpu.memory_space<vmem>> -> memref<128xi32, #tpu.memory_space<vmem>>
        %dma_wait3A_55 = arith.constant 0 : i32
        %dma_wait3A_56 = arith.constant 0 : i32
        %dma_wait3A_57 = tpu.memref_slice %arg14[%dma_wait3A_55, %dma_wait3A_56] : memref<10112x64xf32, #tpu.memory_space<vmem_shared>> -> memref<10112x64xf32, #tpu.memory_space<vmem_shared>>
        tpu.wait_indirect_dma semaphore(%run_scoped3A : memref<!tpu.dma_semaphore, #tpu.memory_space<semaphore_mem>>) src(%arg12 : memref<128x64xf32, #tpu.memory_space<vmem>>) dst(%dma_wait3A_57 : memref<10112x64xf32, #tpu.memory_space<vmem_shared>>)
        tpu.yield
      }) : () -> ()
      %eq3A_41 = arith.constant 0 : i32
      %eq3A_42 = arith.cmpi eq, %arg0, %eq3A_41 : i32
      %convert_element_type3A_43 = arith.extui %eq3A_42 : i1 to i32
      %cond3A_44 = arith.constant 0 : i32
      %cond3A_45 = arith.cmpi ne, %convert_element_type3A_43, %cond3A_44 : i32
      scf.if %cond3A_45 {
        "tpu.region"() ({
          %run_scoped3A = tpu.sem_alloc : memref<!tpu.dma_semaphore, #tpu.memory_space<semaphore_mem>>
          %dma_start3A_46 = arith.constant 0 : i32
          %dma_start3A_47 = tpu.memref_slice %arg11[%scan3A_30, %dma_start3A_46] : memref<79x128xi32, #tpu.memory_space<vmem>> -> memref<1x128xi32, #tpu.memory_space<vmem>>
          %dma_start3A_48 = tpu.memref_squeeze %dma_start3A_47 : memref<1x128xi32, #tpu.memory_space<vmem>> -> memref<128xi32, #tpu.memory_space<vmem>>
          %dma_start3A_49 = arith.constant 0 : i32
          %dma_start3A_50 = arith.constant 0 : i32
          %dma_start3A_51 = tpu.memref_slice %arg15[%dma_start3A_49, %dma_start3A_50] : memref<10112x8xf32, #tpu.memory_space<vmem_shared>> -> memref<10112x8xf32, #tpu.memory_space<vmem_shared>>
          tpu.enqueue_indirect_dma source(%arg13 : memref<128x8xf32, #tpu.memory_space<vmem>>) target(%dma_start3A_51 : memref<10112x8xf32, #tpu.memory_space<vmem_shared>>) offsets(%dma_start3A_48 : memref<128xi32, #tpu.memory_space<vmem>>) semaphore(%run_scoped3A : memref<!tpu.dma_semaphore, #tpu.memory_space<semaphore_mem>>) {add = true}
          %dma_wait3A_52 = arith.constant 0 : i32
          %dma_wait3A_53 = tpu.memref_slice %arg11[%scan3A_30, %dma_wait3A_52] : memref<79x128xi32, #tpu.memory_space<vmem>> -> memref<1x128xi32, #tpu.memory_space<vmem>>
          %dma_wait3A_54 = tpu.memref_squeeze %dma_wait3A_53 : memref<1x128xi32, #tpu.memory_space<vmem>> -> memref<128xi32, #tpu.memory_space<vmem>>
          %dma_wait3A_55 = arith.constant 0 : i32
          %dma_wait3A_56 = arith.constant 0 : i32
          %dma_wait3A_57 = tpu.memref_slice %arg15[%dma_wait3A_55, %dma_wait3A_56] : memref<10112x8xf32, #tpu.memory_space<vmem_shared>> -> memref<10112x8xf32, #tpu.memory_space<vmem_shared>>
          tpu.wait_indirect_dma semaphore(%run_scoped3A : memref<!tpu.dma_semaphore, #tpu.memory_space<semaphore_mem>>) src(%arg13 : memref<128x8xf32, #tpu.memory_space<vmem>>) dst(%dma_wait3A_57 : memref<10112x8xf32, #tpu.memory_space<vmem_shared>>)
          tpu.yield
        }) : () -> ()
      } else {
      }
    }
    %scan3A_13 = arith.constant 79 : i32
    %barrier3A_14 = arith.constant 0 : index
    tpu.barrier barrier_id(%barrier3A_14)
    "tpu.region"() ({
      %run_scoped3A = tpu.sem_alloc : memref<!tpu.dma_semaphore, #tpu.memory_space<semaphore_mem>>
      %dma_start3A = arith.constant 0 : i32
      %dma_start3A_30 = tpu.memref_slice %arg8[%add3A_3, %mul3A_0, %dma_start3A] : memref<4x10112x64xf32, #tpu.memory_space<hbm>> -> memref<1x632x64xf32, #tpu.memory_space<hbm>>
      %dma_start3A_31 = tpu.memref_squeeze %dma_start3A_30 : memref<1x632x64xf32, #tpu.memory_space<hbm>> -> memref<632x64xf32, #tpu.memory_space<hbm>>
      %dma_start3A_32 = arith.constant 0 : i32
      %dma_start3A_33 = tpu.memref_slice %arg14[%mul3A_0, %dma_start3A_32] : memref<10112x64xf32, #tpu.memory_space<vmem_shared>> -> memref<632x64xf32, #tpu.memory_space<vmem_shared>>
      tpu.enqueue_dma source(%dma_start3A_33 : memref<632x64xf32, #tpu.memory_space<vmem_shared>>) target(%dma_start3A_31 : memref<632x64xf32, #tpu.memory_space<hbm>>) target_semaphore(%run_scoped3A : memref<!tpu.dma_semaphore, #tpu.memory_space<semaphore_mem>>)
      %dma_wait3A = arith.constant 0 : i32
      %dma_wait3A_34 = tpu.memref_slice %arg8[%add3A_3, %mul3A_0, %dma_wait3A] : memref<4x10112x64xf32, #tpu.memory_space<hbm>> -> memref<1x632x64xf32, #tpu.memory_space<hbm>>
      %dma_wait3A_35 = tpu.memref_squeeze %dma_wait3A_34 : memref<1x632x64xf32, #tpu.memory_space<hbm>> -> memref<632x64xf32, #tpu.memory_space<hbm>>
      %dma_wait3A_36 = arith.constant 0 : i32
      %dma_wait3A_37 = tpu.memref_slice %arg14[%mul3A_0, %dma_wait3A_36] : memref<10112x64xf32, #tpu.memory_space<vmem_shared>> -> memref<632x64xf32, #tpu.memory_space<vmem_shared>>
      tpu.wait_dma2 semaphore(%run_scoped3A : memref<!tpu.dma_semaphore, #tpu.memory_space<semaphore_mem>>) src(%dma_wait3A_37 : memref<632x64xf32, #tpu.memory_space<vmem_shared>>) dst(%dma_wait3A_35 : memref<632x64xf32, #tpu.memory_space<hbm>>)
      tpu.yield
    }) : () -> ()
    %eq3A_15 = arith.constant 0 : i32
    %eq3A_16 = arith.cmpi eq, %arg0, %eq3A_15 : i32
    %convert_element_type3A_17 = arith.extui %eq3A_16 : i1 to i32
    %cond3A_18 = arith.constant 0 : i32
    %cond3A_19 = arith.cmpi ne, %convert_element_type3A_17, %cond3A_18 : i32
    scf.if %cond3A_19 {
      "tpu.region"() ({
        %run_scoped3A = tpu.sem_alloc : memref<!tpu.dma_semaphore, #tpu.memory_space<semaphore_mem>>
        %dma_start3A = arith.constant 0 : i32
        %dma_start3A_30 = tpu.memref_slice %arg9[%mul3A_0, %dma_start3A] : memref<10112x8xf32, #tpu.memory_space<hbm>> -> memref<632x8xf32, #tpu.memory_space<hbm>>
        %dma_start3A_31 = arith.constant 0 : i32
        %dma_start3A_32 = tpu.memref_slice %arg15[%mul3A_0, %dma_start3A_31] : memref<10112x8xf32, #tpu.memory_space<vmem_shared>> -> memref<632x8xf32, #tpu.memory_space<vmem_shared>>
        tpu.enqueue_dma source(%dma_start3A_32 : memref<632x8xf32, #tpu.memory_space<vmem_shared>>) target(%dma_start3A_30 : memref<632x8xf32, #tpu.memory_space<hbm>>) target_semaphore(%run_scoped3A : memref<!tpu.dma_semaphore, #tpu.memory_space<semaphore_mem>>)
        %dma_wait3A = arith.constant 0 : i32
        %dma_wait3A_33 = tpu.memref_slice %arg9[%mul3A_0, %dma_wait3A] : memref<10112x8xf32, #tpu.memory_space<hbm>> -> memref<632x8xf32, #tpu.memory_space<hbm>>
        %dma_wait3A_34 = arith.constant 0 : i32
        %dma_wait3A_35 = tpu.memref_slice %arg15[%mul3A_0, %dma_wait3A_34] : memref<10112x8xf32, #tpu.memory_space<vmem_shared>> -> memref<632x8xf32, #tpu.memory_space<vmem_shared>>
        tpu.wait_dma2 semaphore(%run_scoped3A : memref<!tpu.dma_semaphore, #tpu.memory_space<semaphore_mem>>) src(%dma_wait3A_35 : memref<632x8xf32, #tpu.memory_space<vmem_shared>>) dst(%dma_wait3A_33 : memref<632x8xf32, #tpu.memory_space<hbm>>)
        tpu.yield
      }) : () -> ()
    } else {
    }
    %add3A_20 = arith.constant 2 : i32
    %add3A_21 = arith.addi %add3A_20, %arg0 : i32
    "tpu.region"() ({
      %run_scoped3A = tpu.sem_alloc : memref<!tpu.dma_semaphore, #tpu.memory_space<semaphore_mem>>
      %dma_start3A = arith.constant 0 : i32
      %dma_start3A_30 = tpu.memref_slice %arg14[%mul3A_0, %dma_start3A] : memref<10112x64xf32, #tpu.memory_space<vmem_shared>> -> memref<632x64xf32, #tpu.memory_space<vmem_shared>>
      %dma_start3A_31 = arith.constant 0 : i32
      %dma_start3A_32 = tpu.memref_slice %arg5[%mul3A_0, %dma_start3A_31] : memref<10112x64xf32, #tpu.memory_space<hbm>> -> memref<632x64xf32, #tpu.memory_space<hbm>>
      tpu.enqueue_dma source(%dma_start3A_32 : memref<632x64xf32, #tpu.memory_space<hbm>>) target(%dma_start3A_30 : memref<632x64xf32, #tpu.memory_space<vmem_shared>>) target_semaphore(%run_scoped3A : memref<!tpu.dma_semaphore, #tpu.memory_space<semaphore_mem>>)
      %dma_wait3A = arith.constant 0 : i32
      %dma_wait3A_33 = tpu.memref_slice %arg14[%mul3A_0, %dma_wait3A] : memref<10112x64xf32, #tpu.memory_space<vmem_shared>> -> memref<632x64xf32, #tpu.memory_space<vmem_shared>>
      %dma_wait3A_34 = arith.constant 0 : i32
      %dma_wait3A_35 = tpu.memref_slice %arg5[%mul3A_0, %dma_wait3A_34] : memref<10112x64xf32, #tpu.memory_space<hbm>> -> memref<632x64xf32, #tpu.memory_space<hbm>>
      tpu.wait_dma2 semaphore(%run_scoped3A : memref<!tpu.dma_semaphore, #tpu.memory_space<semaphore_mem>>) src(%dma_wait3A_35 : memref<632x64xf32, #tpu.memory_space<hbm>>) dst(%dma_wait3A_33 : memref<632x64xf32, #tpu.memory_space<vmem_shared>>)
      tpu.yield
    }) : () -> ()
    "tpu.region"() ({
      %run_scoped3A = tpu.sem_alloc : memref<!tpu.dma_semaphore, #tpu.memory_space<semaphore_mem>>
      %dma_start3A = arith.constant 0 : i32
      %dma_start3A_30 = arith.constant 0 : i32
      %dma_start3A_31 = tpu.memref_slice %arg3[%add3A_21, %arg1, %dma_start3A, %dma_start3A_30] : memref<4x16x79x128xi32, #tpu.memory_space<hbm>> -> memref<1x1x79x128xi32, #tpu.memory_space<hbm>>
      %dma_start3A_32 = tpu.memref_squeeze %dma_start3A_31 : memref<1x1x79x128xi32, #tpu.memory_space<hbm>> -> memref<79x128xi32, #tpu.memory_space<hbm>>
      %dma_start3A_33 = arith.constant 0 : i32
      %dma_start3A_34 = arith.constant 0 : i32
      %dma_start3A_35 = tpu.memref_slice %arg3[%add3A_21, %arg1, %dma_start3A_33, %dma_start3A_34] : memref<4x16x79x128xi32, #tpu.memory_space<hbm>> -> memref<1x1x79x128xi32, #tpu.memory_space<hbm>>
      %dma_start3A_36 = tpu.memref_squeeze %dma_start3A_35 : memref<1x1x79x128xi32, #tpu.memory_space<hbm>> -> memref<79x128xi32, #tpu.memory_space<hbm>>
      tpu.enqueue_dma source(%dma_start3A_36 : memref<79x128xi32, #tpu.memory_space<hbm>>) target(%arg10 : memref<79x128xi32, #tpu.memory_space<vmem>>) target_semaphore(%run_scoped3A : memref<!tpu.dma_semaphore, #tpu.memory_space<semaphore_mem>>)
      %dma_wait3A = arith.constant 0 : i32
      %dma_wait3A_37 = arith.constant 0 : i32
      %dma_wait3A_38 = tpu.memref_slice %arg3[%add3A_21, %arg1, %dma_wait3A, %dma_wait3A_37] : memref<4x16x79x128xi32, #tpu.memory_space<hbm>> -> memref<1x1x79x128xi32, #tpu.memory_space<hbm>>
      %dma_wait3A_39 = tpu.memref_squeeze %dma_wait3A_38 : memref<1x1x79x128xi32, #tpu.memory_space<hbm>> -> memref<79x128xi32, #tpu.memory_space<hbm>>
      %dma_wait3A_40 = arith.constant 0 : i32
      %dma_wait3A_41 = arith.constant 0 : i32
      %dma_wait3A_42 = tpu.memref_slice %arg3[%add3A_21, %arg1, %dma_wait3A_40, %dma_wait3A_41] : memref<4x16x79x128xi32, #tpu.memory_space<hbm>> -> memref<1x1x79x128xi32, #tpu.memory_space<hbm>>
      %dma_wait3A_43 = tpu.memref_squeeze %dma_wait3A_42 : memref<1x1x79x128xi32, #tpu.memory_space<hbm>> -> memref<79x128xi32, #tpu.memory_space<hbm>>
      tpu.wait_dma2 semaphore(%run_scoped3A : memref<!tpu.dma_semaphore, #tpu.memory_space<semaphore_mem>>) src(%dma_wait3A_43 : memref<79x128xi32, #tpu.memory_space<hbm>>) dst(%arg10 : memref<79x128xi32, #tpu.memory_space<vmem>>)
      tpu.yield
    }) : () -> ()
    %barrier3A_22 = arith.constant 0 : index
    tpu.barrier barrier_id(%barrier3A_22)
    %scan3A_23 = arith.constant 0 : i32
    %scan3A_24 = arith.constant 0 : i32
    %scan3A_25 = arith.constant 79 : i32
    %scan3A_26 = arith.addi %scan3A_24, %scan3A_25 : i32
    %scan3A_27 = arith.constant 1 : i32
    scf.for %scan3A_30 = %scan3A_24 to %scan3A_26 step %scan3A_27  : i32 {
      %dma_start3A = arith.constant 0 : i32
      %dma_start3A_31 = tpu.memref_slice %arg10[%scan3A_30, %dma_start3A] : memref<79x128xi32, #tpu.memory_space<vmem>> -> memref<1x128xi32, #tpu.memory_space<vmem>>
      %dma_start3A_32 = tpu.memref_squeeze %dma_start3A_31 : memref<1x128xi32, #tpu.memory_space<vmem>> -> memref<128xi32, #tpu.memory_space<vmem>>
      %dma_start3A_33 = arith.constant 0 : i32
      %dma_start3A_34 = arith.constant 0 : i32
      %dma_start3A_35 = tpu.memref_slice %arg2[%dma_start3A_33, %dma_start3A_34] : memref<40000x64xf32, #tpu.memory_space<hbm>> -> memref<40000x64xf32, #tpu.memory_space<hbm>>
      tpu.enqueue_indirect_dma source(%dma_start3A_35 : memref<40000x64xf32, #tpu.memory_space<hbm>>) target(%arg12 : memref<128x64xf32, #tpu.memory_space<vmem>>) offsets(%dma_start3A_32 : memref<128xi32, #tpu.memory_space<vmem>>) semaphore(%arg16 : memref<!tpu.dma_semaphore, #tpu.memory_space<semaphore_mem>>)
      %dma_wait3A = arith.constant 0 : i32
      %dma_wait3A_36 = tpu.memref_slice %arg10[%scan3A_30, %dma_wait3A] : memref<79x128xi32, #tpu.memory_space<vmem>> -> memref<1x128xi32, #tpu.memory_space<vmem>>
      %dma_wait3A_37 = tpu.memref_squeeze %dma_wait3A_36 : memref<1x128xi32, #tpu.memory_space<vmem>> -> memref<128xi32, #tpu.memory_space<vmem>>
      %dma_wait3A_38 = arith.constant 0 : i32
      %dma_wait3A_39 = arith.constant 0 : i32
      %dma_wait3A_40 = tpu.memref_slice %arg2[%dma_wait3A_38, %dma_wait3A_39] : memref<40000x64xf32, #tpu.memory_space<hbm>> -> memref<40000x64xf32, #tpu.memory_space<hbm>>
      tpu.wait_indirect_dma semaphore(%arg16 : memref<!tpu.dma_semaphore, #tpu.memory_space<semaphore_mem>>) src(%dma_wait3A_40 : memref<40000x64xf32, #tpu.memory_space<hbm>>) dst(%arg12 : memref<128x64xf32, #tpu.memory_space<vmem>>)
      "tpu.region"() ({
        %run_scoped3A = tpu.sem_alloc : memref<!tpu.dma_semaphore, #tpu.memory_space<semaphore_mem>>
        %dma_start3A_41 = arith.constant 0 : i32
        %dma_start3A_42 = tpu.memref_slice %arg11[%scan3A_30, %dma_start3A_41] : memref<79x128xi32, #tpu.memory_space<vmem>> -> memref<1x128xi32, #tpu.memory_space<vmem>>
        %dma_start3A_43 = tpu.memref_squeeze %dma_start3A_42 : memref<1x128xi32, #tpu.memory_space<vmem>> -> memref<128xi32, #tpu.memory_space<vmem>>
        %dma_start3A_44 = arith.constant 0 : i32
        %dma_start3A_45 = arith.constant 0 : i32
        %dma_start3A_46 = tpu.memref_slice %arg14[%dma_start3A_44, %dma_start3A_45] : memref<10112x64xf32, #tpu.memory_space<vmem_shared>> -> memref<10112x64xf32, #tpu.memory_space<vmem_shared>>
        tpu.enqueue_indirect_dma source(%arg12 : memref<128x64xf32, #tpu.memory_space<vmem>>) target(%dma_start3A_46 : memref<10112x64xf32, #tpu.memory_space<vmem_shared>>) offsets(%dma_start3A_43 : memref<128xi32, #tpu.memory_space<vmem>>) semaphore(%run_scoped3A : memref<!tpu.dma_semaphore, #tpu.memory_space<semaphore_mem>>) {add = true}
        %dma_wait3A_47 = arith.constant 0 : i32
        %dma_wait3A_48 = tpu.memref_slice %arg11[%scan3A_30, %dma_wait3A_47] : memref<79x128xi32, #tpu.memory_space<vmem>> -> memref<1x128xi32, #tpu.memory_space<vmem>>
        %dma_wait3A_49 = tpu.memref_squeeze %dma_wait3A_48 : memref<1x128xi32, #tpu.memory_space<vmem>> -> memref<128xi32, #tpu.memory_space<vmem>>
        %dma_wait3A_50 = arith.constant 0 : i32
        %dma_wait3A_51 = arith.constant 0 : i32
        %dma_wait3A_52 = tpu.memref_slice %arg14[%dma_wait3A_50, %dma_wait3A_51] : memref<10112x64xf32, #tpu.memory_space<vmem_shared>> -> memref<10112x64xf32, #tpu.memory_space<vmem_shared>>
        tpu.wait_indirect_dma semaphore(%run_scoped3A : memref<!tpu.dma_semaphore, #tpu.memory_space<semaphore_mem>>) src(%arg12 : memref<128x64xf32, #tpu.memory_space<vmem>>) dst(%dma_wait3A_52 : memref<10112x64xf32, #tpu.memory_space<vmem_shared>>)
        tpu.yield
      }) : () -> ()
    }
    %scan3A_28 = arith.constant 79 : i32
    %barrier3A_29 = arith.constant 0 : index
    tpu.barrier barrier_id(%barrier3A_29)
    "tpu.region"() ({
      %run_scoped3A = tpu.sem_alloc : memref<!tpu.dma_semaphore, #tpu.memory_space<semaphore_mem>>
      %dma_start3A = arith.constant 0 : i32
      %dma_start3A_30 = tpu.memref_slice %arg8[%add3A_21, %mul3A_0, %dma_start3A] : memref<4x10112x64xf32, #tpu.memory_space<hbm>> -> memref<1x632x64xf32, #tpu.memory_space<hbm>>
      %dma_start3A_31 = tpu.memref_squeeze %dma_start3A_30 : memref<1x632x64xf32, #tpu.memory_space<hbm>> -> memref<632x64xf32, #tpu.memory_space<hbm>>
      %dma_start3A_32 = arith.constant 0 : i32
      %dma_start3A_33 = tpu.memref_slice %arg14[%mul3A_0, %dma_start3A_32] : memref<10112x64xf32, #tpu.memory_space<vmem_shared>> -> memref<632x64xf32, #tpu.memory_space<vmem_shared>>
      tpu.enqueue_dma source(%dma_start3A_33 : memref<632x64xf32, #tpu.memory_space<vmem_shared>>) target(%dma_start3A_31 : memref<632x64xf32, #tpu.memory_space<hbm>>) target_semaphore(%run_scoped3A : memref<!tpu.dma_semaphore, #tpu.memory_space<semaphore_mem>>)
      %dma_wait3A = arith.constant 0 : i32
      %dma_wait3A_34 = tpu.memref_slice %arg8[%add3A_21, %mul3A_0, %dma_wait3A] : memref<4x10112x64xf32, #tpu.memory_space<hbm>> -> memref<1x632x64xf32, #tpu.memory_space<hbm>>
      %dma_wait3A_35 = tpu.memref_squeeze %dma_wait3A_34 : memref<1x632x64xf32, #tpu.memory_space<hbm>> -> memref<632x64xf32, #tpu.memory_space<hbm>>
      %dma_wait3A_36 = arith.constant 0 : i32
      %dma_wait3A_37 = tpu.memref_slice %arg14[%mul3A_0, %dma_wait3A_36] : memref<10112x64xf32, #tpu.memory_space<vmem_shared>> -> memref<632x64xf32, #tpu.memory_space<vmem_shared>>
      tpu.wait_dma2 semaphore(%run_scoped3A : memref<!tpu.dma_semaphore, #tpu.memory_space<semaphore_mem>>) src(%dma_wait3A_37 : memref<632x64xf32, #tpu.memory_space<vmem_shared>>) dst(%dma_wait3A_35 : memref<632x64xf32, #tpu.memory_space<hbm>>)
      tpu.yield
    }) : () -> ()
    return
  }
}

module attributes {stable_mosaic.version = 14 : i64} {
  func.func @_tc_body(%arg0: i32, %arg1: memref<1000x64xf32, #tpu.memory_space<vmem>>, %arg2: memref<1000x64xf32, #tpu.memory_space<vmem>>, %arg3: memref<1000x64xf32, #tpu.memory_space<vmem>>, %arg4: memref<1000x64xf32, #tpu.memory_space<vmem>>, %arg5: memref<1000x8xf32, #tpu.memory_space<vmem>>, %arg6: memref<1000x256xf32, #tpu.memory_space<vmem>>, %arg7: memref<256x256xf32, #tpu.memory_space<vmem>>, %arg8: memref<256x256xf32, #tpu.memory_space<vmem>>, %arg9: memref<1x256xf32, #tpu.memory_space<vmem>>, %arg10: memref<1000x256xf32, #tpu.memory_space<vmem>>) attributes {dimension_semantics = [#tpu.dimension_semantics<arbitrary>], iteration_bounds = array<i64: 10>, scalar_prefetch = 0 : i64, scratch_operands = 0 : i64, tpu.core_type = #tpu.core_type<tc>, window_params = [{transform_indices = @transform_0, window_bounds = array<i64: 1000, 64>}, {transform_indices = @transform_1, window_bounds = array<i64: 1000, 64>}, {transform_indices = @transform_2, window_bounds = array<i64: 1000, 64>}, {transform_indices = @transform_3, window_bounds = array<i64: 1000, 64>}, {transform_indices = @transform_4, window_bounds = array<i64: 1000, 8>}, {transform_indices = @transform_5, window_bounds = array<i64: 1000, 256>}, {pipeline_mode = #tpu.pipeline_mode<synchronous>, transform_indices = @transform_6, window_bounds = array<i64: 256, 256>}, {pipeline_mode = #tpu.pipeline_mode<synchronous>, transform_indices = @transform_7, window_bounds = array<i64: 256, 256>}, {pipeline_mode = #tpu.pipeline_mode<synchronous>, transform_indices = @transform_8, window_bounds = array<i64: 1, 256>}, {transform_indices = @transform_9, window_bounds = array<i64: 1000, 256>}]} {
    %get3A = arith.constant 0 : index
    %get3A_0 = arith.constant 0 : index
    %get3A_1 = vector.load %arg5[%get3A, %get3A_0] : memref<1000x8xf32, #tpu.memory_space<vmem>>, vector<1000x1xf32>
    %max3A = arith.constant 1.000000e+00 : f32
    %max3A_2 = vector.broadcast %max3A : f32 to vector<1000x1xf32>
    %max3A_3 = arith.maximumf %get3A_1, %max3A_2 : vector<1000x1xf32>
    %get3A_4 = arith.constant 0 : index
    %get3A_5 = arith.constant 0 : index
    %get3A_6 = vector.load %arg1[%get3A_4, %get3A_5] : memref<1000x64xf32, #tpu.memory_space<vmem>>, vector<1000x64xf32>
    %get3A_7 = arith.constant 0 : index
    %get3A_8 = arith.constant 0 : index
    %get3A_9 = vector.load %arg2[%get3A_7, %get3A_8] : memref<1000x64xf32, #tpu.memory_space<vmem>>, vector<1000x64xf32>
    %get3A_10 = arith.constant 0 : index
    %get3A_11 = arith.constant 0 : index
    %get3A_12 = vector.load %arg3[%get3A_10, %get3A_11] : memref<1000x64xf32, #tpu.memory_space<vmem>>, vector<1000x64xf32>
    %get3A_13 = arith.constant 0 : index
    %get3A_14 = arith.constant 0 : index
    %get3A_15 = vector.load %arg4[%get3A_13, %get3A_14] : memref<1000x64xf32, #tpu.memory_space<vmem>>, vector<1000x64xf32>
    %concatenate3A = tpu.concatenate %get3A_6, %get3A_9, %get3A_12, %get3A_15 in 1 : vector<1000x64xf32>, vector<1000x64xf32>, vector<1000x64xf32>, vector<1000x64xf32> -> vector<1000x256xf32>
    %div3A = vector.broadcast %max3A_3 : vector<1000x1xf32> to vector<1000x256xf32>
    %div3A_16 = arith.divf %concatenate3A, %div3A : vector<1000x256xf32>
    %get3A_17 = arith.constant 0 : index
    %get3A_18 = arith.constant 0 : index
    %get3A_19 = vector.load %arg7[%get3A_17, %get3A_18] : memref<256x256xf32, #tpu.memory_space<vmem>>, vector<256x256xf32>
    %dot_general3A = arith.constant dense<0.000000e+00> : vector<1000x256xf32>
    %dot_general3A_20 = tpu.matmul %div3A_16, %get3A_19, %dot_general3A {dimension_numbers = #tpu.dot_dimension_numbers<[1], [0], [0], [1], [0, 0, 1, 1], [], []>, transpose_lhs_hint = false} : vector<1000x256xf32>, vector<256x256xf32>, vector<1000x256xf32> -> vector<1000x256xf32>
    %get3A_21 = arith.constant 0 : index
    %get3A_22 = arith.constant 0 : index
    %get3A_23 = vector.load %arg6[%get3A_21, %get3A_22] : memref<1000x256xf32, #tpu.memory_space<vmem>>, vector<1000x256xf32>
    %get3A_24 = arith.constant 0 : index
    %get3A_25 = arith.constant 0 : index
    %get3A_26 = vector.load %arg8[%get3A_24, %get3A_25] : memref<256x256xf32, #tpu.memory_space<vmem>>, vector<256x256xf32>
    %dot_general3A_27 = arith.constant dense<0.000000e+00> : vector<1000x256xf32>
    %dot_general3A_28 = tpu.matmul %get3A_23, %get3A_26, %dot_general3A_27 {dimension_numbers = #tpu.dot_dimension_numbers<[1], [0], [0], [1], [0, 0, 1, 1], [], []>, transpose_lhs_hint = false} : vector<1000x256xf32>, vector<256x256xf32>, vector<1000x256xf32> -> vector<1000x256xf32>
    %add3A = arith.addf %dot_general3A_20, %dot_general3A_28 : vector<1000x256xf32>
    %get3A_29 = arith.constant 0 : index
    %get3A_30 = arith.constant 0 : index
    %get3A_31 = vector.load %arg9[%get3A_29, %get3A_30] : memref<1x256xf32, #tpu.memory_space<vmem>>, vector<1x256xf32>
    %add3A_32 = vector.broadcast %get3A_31 : vector<1x256xf32> to vector<1000x256xf32>
    %add3A_33 = arith.addf %add3A, %add3A_32 : vector<1000x256xf32>
    %swap3A = arith.constant 0 : index
    %swap3A_34 = arith.constant 0 : index
    %swap3A_35 = vector.load %arg10[%swap3A, %swap3A_34] : memref<1000x256xf32, #tpu.memory_space<vmem>>, vector<1000x256xf32>
    tpu.vector_store %arg10[%swap3A, %swap3A_34], %add3A_33 {strides = array<i32>} : memref<1000x256xf32, #tpu.memory_space<vmem>>, vector<1000x256xf32>,
    return
  }
  func.func @transform_0(%arg0: i32) -> (i32, i32) {
    %c0_i32 = arith.constant 0 : i32
    %c0_i32_0 = arith.constant 0 : i32
    return %arg0, %c0_i32 : i32, i32
  }
  func.func @transform_1(%arg0: i32) -> (i32, i32) {
    %c0_i32 = arith.constant 0 : i32
    %c0_i32_0 = arith.constant 0 : i32
    return %arg0, %c0_i32 : i32, i32
  }
  func.func @transform_2(%arg0: i32) -> (i32, i32) {
    %c0_i32 = arith.constant 0 : i32
    %c0_i32_0 = arith.constant 0 : i32
    return %arg0, %c0_i32 : i32, i32
  }
  func.func @transform_3(%arg0: i32) -> (i32, i32) {
    %c0_i32 = arith.constant 0 : i32
    %c0_i32_0 = arith.constant 0 : i32
    return %arg0, %c0_i32 : i32, i32
  }
  func.func @transform_4(%arg0: i32) -> (i32, i32) {
    %c0_i32 = arith.constant 0 : i32
    %c0_i32_0 = arith.constant 0 : i32
    return %arg0, %c0_i32 : i32, i32
  }
  func.func @transform_5(%arg0: i32) -> (i32, i32) {
    %c0_i32 = arith.constant 0 : i32
    %c0_i32_0 = arith.constant 0 : i32
    return %arg0, %c0_i32 : i32, i32
  }
  func.func @transform_6(%arg0: i32) -> (i32, i32) {
    %c0_i32 = arith.constant 0 : i32
    %c0_i32_0 = arith.constant 0 : i32
    %c0_i32_1 = arith.constant 0 : i32
    return %c0_i32, %c0_i32_0 : i32, i32
  }
  func.func @transform_7(%arg0: i32) -> (i32, i32) {
    %c0_i32 = arith.constant 0 : i32
    %c0_i32_0 = arith.constant 0 : i32
    %c0_i32_1 = arith.constant 0 : i32
    return %c0_i32, %c0_i32_0 : i32, i32
  }
  func.func @transform_8(%arg0: i32) -> (i32, i32) {
    %c0_i32 = arith.constant 0 : i32
    %c0_i32_0 = arith.constant 0 : i32
    %c0_i32_1 = arith.constant 0 : i32
    return %c0_i32, %c0_i32_0 : i32, i32
  }
  func.func @transform_9(%arg0: i32) -> (i32, i32) {
    %c0_i32 = arith.constant 0 : i32
    %c0_i32_0 = arith.constant 0 : i32
    return %arg0, %c0_i32 : i32, i32
  }
}

</mosaic_0001>

<sc_bundles>
// kernel: kernel.6.cloned.1.call-start
scs
__scs_entry_jumppad:
0x0: {  	(pc) =	sbr.rel $0x88, $3  }
0x1: {  	(tag) =	ssettag $0x0;
	lr =	simm.s32 $0x1  }
0x2: {  	[smem:$0x3F97] =	sst lr;
	_ =	strace $0xD0000000  }
0x3: {  	_ = 	snop  }
0x4: {  	_ = 	snop  }
0x5: {  	_ = 	snop  }
0x6: {  	_ = 	snop  }
0x7: {  	_ = 	snop  }
__scs_overlays_trampoline_lowered:
0x8: {  	[smem:$0x3FA6] =	sst s0  }
0x9: {  	[smem:$0x3FA7] =	sst s1  }
0xa: {  	[smem:$0x3FA8] =	sst s2  }
0xb: {  	[smem:$0x3FA9] =	sst s3  }
0xc: {  	[smem:$0x3FAA] =	sst s4  }
0xd: {  	[smem:$0x3FAB] =	sst s5  }
0xe: {  	[smem:$0x3FAC] =	sst s6  }
0xf: {  	[smem:$0x3FAD] =	sst s7  }
0x10: {  	[smem:$0x3FAE] =	sst s8  }
0x11: {  	[smem:$0x3FAF] =	sst s9;
	s0 =	simm.s32 @!p0 $0x0  }
0x12: {  	s1 =	sld [smem:$0x3F95];
	s0 =	simm.s32 @p0 $0x1  }
0x13: {  	[smem:$0x3FB0] =	sst s0;
	s0 =	simm.s32 @!p1 $0x0  }
0x14: {  	s2 =	sld [smem:$0x3F94];
	s0 =	simm.s32 @p1 $0x1  }
0x15: {  	[smem:$0x3FB1] =	sst s0;
	s0 =	simm.s32 @!p2 $0x0  }
0x16: {  	s3 =	sld [smem:$0x3FDB];
	s0 =	simm.s32 @p2 $0x1  }
0x17: {  	s4 =	simm.s32 $0x1BF5;
	[smem:$0x3FB3] =	sst s0  }
0x18: {  	s0 =	sld [smem:$0x3F96];
	_ =	swait.ge [sflag:s4], $0x0  }
0x19: {  	s7 =	sld [smem:$0x3F97]  }
0x1a: {  	s8 =	sadd.s32 $0xFFFFE003, lr  }
0x1b: {  	s9 =	sadd.s32 $0xFFFFFEF7, lr;
	s5 =	simm.s32 $0xFFFFFFFF;
	p2 =	slt.u32 s8, $0xFFFFF086  }
0x1c: {  	p1 =	slt.u32 s9, $0xF7A;
	s5 =	simm.s32 @!p2 $0x0  }
0x1d: {  	s5 =	simm.s32 @p1 $0x1;
	p0 =	seq.s32 s7, s2  }
0x1e: {  	s7 =	smul.u32 @!p0 $0xF7A, s2;
	p2 =	seq.s32 @!p0 s5, $0x0  }
0x1f: {  	s9 =	smul.u32 $0xF7A, s1;
	s8 =	simm.s32 @!p0 $0x1BF5;
	p2 =	por !p2, p0  }
0x20: {  	[sflag:s8] =	ssyncset.s32 @!p0 $0xFFFFF086;
	s6 =	sadd.s32 @!p0 s3, s7;
	s7 =	simm.s32 @!p0 $0x108  }
0x21: {  	s3 =	sadd.s32 s3, s9;
	s6 =	sadd.s32 @!p0 $0x88, s6;
	s7 =	simm.s32 @p2 $0x1082  }
0x22: {  	[simem:s7], [sflag:s8] =	dma.local @!p0 [hbm:s6], $0xF7A  }
0x23: {  	s9 =	sor.u32 $0xD0000000, s2;
	s6 =	simm.s32 $0x108;
	_ =	swait.ge @!p0 [sflag:s8], $0x0  }
0x24: {  	s3 =	sadd.s32 $0x88, s3;
	s6 =	simm.s32 @!p1 $0x1082;
	[sflag:s4] =	ssyncset.s32 $0xFFFFF086  }
0x25: {  	[simem:s6], [sflag:s4] =	dma.local [hbm:s3], $0xF7A  }
0x26: {  	[smem:$0x3F97] =	sst s1;
	(tag) =	ssettag s2;
	_ =	strace s9  }
0x27: {  	s1 =	sld [smem:$0x3FA7]  }
0x28: {  	s2 =	sld [smem:$0x3FA8]  }
0x29: {  	s4 =	sld [smem:$0x3FAA]  }
0x2a: {  	p0 =	seq.s32 s5, $0x0;
	s5 =	sld [smem:$0x3FAB]  }
0x2b: {  	s6 =	sld [smem:$0x3FAC]  }
0x2c: {  	s7 =	sld [smem:$0x3FAD]  }
0x2d: {  	s3 =	simm.s32 $0x108;
	s8 =	sld [smem:$0x3FAE]  }
0x2e: {  	s3 =	simm.s32 @!p0 $0x1082;
	s9 =	sld [smem:$0x3FAF]  }
0x2f: {  	lr =	sadd.s32 s0, s3;
	s0 =	sld [smem:$0x3FA6]  }
0x30: {  	s3 =	sld [smem:$0x3FA9]  }
0x31: {  	[smem:$0x3FB2] =	sst s10  }
0x32: {  	s10 =	sld [smem:$0x3FB0];
	_ =	sdelay $0x3  }
0x33: {  	p0 =	seq.s32 s10, $0x1;
	s10 =	sld [smem:$0x3FB2];
	_ =	sdelay $0x3  }
0x34: {  	[smem:$0x3FB2] =	sst s10  }
0x35: {  	s10 =	sld [smem:$0x3FB1];
	_ =	sdelay $0x3  }
0x36: {  	p1 =	seq.s32 s10, $0x1;
	s10 =	sld [smem:$0x3FB2];
	_ =	sdelay $0x3  }
0x37: {  	[smem:$0x3FB2] =	sst s10  }
0x38: {  	s10 =	sld [smem:$0x3FB3]  }
0x39: {  	_ = 	snop;
	(pc) =	sbr.ind lr, $3  }
0x3a: {  	_ = 	snop  }
0x3b: {  	_ = 	snop  }
0x3c: {  	p2 =	seq.s32 s10, $0x1;
	s10 =	sld [smem:$0x3FB2]  }
0x3d: {  	_ =	shalt  }
0x3e: {  	_ =	shalt  }
0x3f: {  	_ =	shalt  }
0x40: {  	_ =	shalt  }
0x41: {  	_ =	shalt  }
0x42: {  	_ =	shalt  }
0x43: {  	_ =	shalt  }
0x44: {  	_ =	shalt  }
0x45: {  	_ =	shalt  }
0x46: {  	_ =	shalt  }
0x47: {  	_ =	shalt  }
0x48: {  	_ =	shalt  }
0x49: {  	_ =	shalt  }
0x4a: {  	_ =	shalt  }
0x4b: {  	_ =	shalt  }
0x4c: {  	_ =	shalt  }
0x4d: {  	_ =	shalt  }
0x4e: {  	_ =	shalt  }
0x4f: {  	_ =	shalt  }
0x50: {  	_ =	shalt  }
0x51: {  	_ =	shalt  }
0x52: {  	_ =	shalt  }
0x53: {  	_ =	shalt  }
0x54: {  	_ =	shalt  }
0x55: {  	_ =	shalt  }
0x56: {  	_ =	shalt  }
0x57: {  	_ =	shalt  }
0x58: {  	_ =	shalt  }
0x59: {  	_ =	shalt  }
0x5a: {  	_ =	shalt  }
0x5b: {  	_ =	shalt  }
0x5c: {  	_ =	shalt  }
0x5d: {  	_ =	shalt  }
0x5e: {  	_ =	shalt  }
0x5f: {  	_ =	shalt  }
0x60: {  	_ =	shalt  }
0x61: {  	_ =	shalt  }
0x62: {  	_ =	shalt  }
0x63: {  	_ =	shalt  }
0x64: {  	_ =	shalt  }
0x65: {  	_ =	shalt  }
0x66: {  	_ =	shalt  }
0x67: {  	_ =	shalt  }
0x68: {  	_ =	shalt  }
0x69: {  	_ =	shalt  }
0x6a: {  	_ =	shalt  }
0x6b: {  	_ =	shalt  }
0x6c: {  	_ =	shalt  }
0x6d: {  	_ =	shalt  }
0x6e: {  	_ =	shalt  }
0x6f: {  	_ =	shalt  }
0x70: {  	_ =	shalt  }
0x71: {  	_ =	shalt  }
0x72: {  	_ =	shalt  }
0x73: {  	_ =	shalt  }
0x74: {  	_ =	shalt  }
0x75: {  	_ =	shalt  }
0x76: {  	_ =	shalt  }
0x77: {  	_ =	shalt  }
0x78: {  	_ =	shalt  }
0x79: {  	_ =	shalt  }
0x7a: {  	_ =	shalt  }
0x7b: {  	_ =	shalt  }
0x7c: {  	_ =	shalt  }
0x7d: {  	_ =	shalt  }
0x7e: {  	_ =	shalt  }
0x7f: {  	_ =	shalt  }
0x80: {  	_ =	shalt  }
0x81: {  	_ =	shalt  }
0x82: {  	_ =	shalt  }
0x83: {  	_ =	shalt  }
0x84: {  	_ =	shalt  }
0x85: {  	_ =	shalt  }
0x86: {  	_ =	shalt  }
0x87: {  	_ =	shalt  }
.Lfunc_end0:
.L_simem_size_0:
called_computation_lowered:
.L_overlay_start_0:
0x88: {  	s2 =	sld [smem:$0x3FD9]  }
0x89: {  	s3 =	sld [smem:$0x3FFE];
	_ =	sdelay $0x1  }
0x8a: {  	s1 =	srdreg.scid  }
0x8b: {  	s0 =	sand.u32 $0x1, s1  }
0x8c: {  	s14 =	sshll.u32 s0, $0xA;
	s2 =	sadd.s32 s3, s2  }
0x8d: {  	s2 =	sadd.s32 s2, s14  }
0x8e: {  	[smem:$0x3FBE] =	sst s2  }
0x8f: {  	_ = 	snop  }
0x90: {  	s2 =	sld [smem:$0x3FD0];
	_ =	sdelay $0x2  }
0x91: {  	s15 =	simm.s32 $0xB;
	s4 =	simm.s32 $0x10  }
0x92: {  	[smem:s4], [sflag:s15] =	dma.local [hbm:s2], $0x1  }
0x93: {  	_ =	swait.eq [sflag:s15], $0x1  }
0x94: {  	[sflag:s15] =	ssyncset.done $0x0  }
0x95: {  	[sflag:s15] =	ssyncadd.s32 $0xFFFFFFFF  }
0x96: {  	s16 =	sld [smem:$0x10];
	(tm) =	ssettm $0x1  }
0x97: {  	s17 =	sld [smem:$0x3FFB];
	_ =	sdelay $0x3  }
0x98: {  	_ =	strace s17  }
0x99: {  	s3 =	sld [smem:$0x3FFC];
	_ =	sdelay $0x3  }
0x9a: {  	_ =	strace s3  }
0x9b: {  	s3 =	sld [smem:$0x3FFD];
	_ =	sdelay $0x3  }
0x9c: {  	_ =	strace s3  }
0x9d: {  	_ =	strace $0x8FFFFFFF  }
0x9e: {  	s18 =	sld [smem:$0x3FDB];
	_ =	sdelay $0x1  }
0x9f: {  	s19 =	simm.s32 $_scs_section_size  }
0xa0: {  	s5 =	simm.s32 $_size__tile_overlayer_lowered;
	s6 =	simm.s32 $_tile_overlayer_lowered  }
0xa1: {  	s22 =	simm.s32 $0x1BFF;
	s21 =	sshll.u32 s6, $0x1;
	s3 =	sadd.s32 s19, s18  }
0xa2: {  	s7 =	simm.s32 $0x0;
	s20 =	sshll.u32 s5, $0x1;
	s5 =	sadd.s32 s21, s3  }
0xa3: {  	[timem:s7], [sflag:s22] =	dma.local [hbm:s5], s20  }
0xa4: {  	_ =	swait.ge [sflag:s22], s20  }
0xa5: {  	s4 =	ssub.s32 $0x0, s20;
	[sflag:s22] =	ssyncset.done $0x0  }
0xa6: {  	[sflag:s22] =	ssyncadd.s32 s4;
	_ =	sdelay $0x1  }
0xa7: {  	s23 =	simm.s32 $0x1B8B  }
0xa8: {  	_ =	swait.ge [sflag:s23], $0x1  }
0xa9: {  	[sflag:s23] =	ssyncset.done $0x0  }
0xaa: {  	s25 =	simm.s32 $0x1B8E;
	s24 =	sld [smem:$0x3FFE];
	[sflag:s23] =	ssyncadd.s32 $0xFFFFFFFF  }
0xab: {  	s26 =	simm.s32 $execute0_lowered;
	[smem:$0x3FD2] =	sst s25  }
0xac: {  	s5 =	sshll.u32 s26, $0x1;
	_ =	strace $0x80000046;
	[dreg:$0x1] =	wrdreg $0xFFFFFFFF  }
0xad: {  	s28 =	simm.s32 $_size_execute0_lowered;
	s3 =	sadd.s32 s3, s5;
	[dreg:$0x0] =	wrdreg $0x0  }
0xae: {  	s5 =	sshll.u32 s28, $0x1;
	[dreg:$0x2] =	wrdreg s3  }
0xaf: {  	[dreg:$0x3] =	wrdreg s5  }
0xb0: {  	[dreg:$0x4] =	wrdreg $0xC0  }
0xb1: {  	_ =	task [dreg:s7], $0x5FFFF  }
0xb2: {  	[dreg:$0x1] =	wrdreg $0xFFFFFFFF  }
0xb3: {  	[dreg:$0x0] =	wrdreg $0x60  }
0xb4: {  	[dreg:$0x2] =	wrdreg s16  }
0xb5: {  	[dreg:$0x3] =	wrdreg s24  }
0xb6: {  	[dreg:$0x4] =	wrdreg $0x73000  }
0xb7: {  	[dreg:$0x5] =	wrdreg $0x111000  }
0xb8: {  	[dreg:$0x6] =	wrdreg $0x9  }
0xb9: {  	_ =	task.clear_ibuf [dreg:s7], $0x7FFFF;
	_ =	strace $0x90000046  }
0xba: {  	s29 =	simm.s32 $0x9;
	_ =	strace $0x80000048  }
0xbb: {  	_ =	swait.ge [sflag:s29], $0x1  }
0xbc: {  	[sflag:s29] =	ssyncadd.s32 $0xFFFFFFFF  }
0xbd: {  	_ =	strace $0x90000048  }
0xbe: {  	_ =	sfence  }
0xbf: {  	s30 =	sld [smem:$0x0];
	_ =	sdelay $0x2  }
0xc0: {  	s31 =	sshll.u32 s1, $0xD;
	s1 =	sshrl.u32 s1, $0x2  }
0xc1: {  	s3 =	sand.u32 $0x4000, s31;
	s1 =	sadd.s32 s1, s30  }
0xc2: {  	s0 =	sor.u32 s3, s0;
	s1 =	sshll.u32 s1, $0x11  }
0xc3: {  	s0 =	sor.u32 s1, s0  }
0xc4: {  	s0 =	sadd.s32 $0x8F2B, s0  }
0xc5: {  	[sflag:s0] =	ssyncadd.remote.s32 $0x1  }
0xc6: {  	_ =	sfence.sel $0xFFFF  }
0xc7: {  	[dreg:$0x0] =	wrdreg $0xFFFFFFFF;
	(pc) =	sbr.abs _section_cstart, $3  }
0xc8: {  	[dreg:$0x1] =	wrdreg $0xFFFFFFFF  }
0xc9: {  	_ =	task.clear_ibuf [dreg:s7], $0x2FFFF;
	_ =	strace $0x9FFFFFFF  }
0xca: {  	(tm) =	ssettm $0x7FFFFFFF  }
0xcb: {  	_ =	shalt  }
tec
execute0_lowered:
.L_overlay_start_1:
0x0: {  	(tag) =	ssettag $0x1  }
0x1: {  	s2 =	rddreg [dreg:$0x0]  }
0x2: {  	s0 =	rddreg [dreg:$0x1]  }
0x3: {  	s3 =	rddreg [dreg:$0x2]  }
0x4: {  	s4 =	rddreg [dreg:$0x3]  }
0x5: {  	s21 =	stileid.u32;
	s5 =	simm.s32 $0x0;
	s26 =	srdreg.scid  }
0x6: {  	s22 =	simm.s32 $0x4F00;
	s23 =	simm.s32 $0x1;
	s1 =	smul.u32 $0x2780, s21  }
0x7: {  	s24 =	simm.s32 $0x3;
	s25 =	simm.s32 $0x0;
	s14 =	smul.u32 $0x9E00, s21  }
0x8: {  	[smem:$0x7FF] =	sst s5;
	s15 =	sadd.s32 $0x2A00, s0;
	s10 =	smul.u32 $0x13C0, s21  }
0x9: {  	s18 =	sand.u32 $0x1, s26;
	s16 =	sadd.s32 $0x31C00, s0;
	s31 =	sshll.u32 s21, $0x6  }
0xa: {  	s21 =	simm.s32 $0x80;
	_ =	strace $0x80000047;
	s29 =	smul.u32 $0x27800, s18  }
0xb: {  	s28 =	ssub.s32 $0x2, s18;
	s13 =	smul.u32 $0x9E000, s18;
	s19 =	sor.u32 $0x2, s18  }
0xc: {  	p0 =	sne.s32 s18, $0x0;
	s6 =	sshrl.u32 s1, $0x3;
	s8 =	sshrl.u32 s14, $0x3  }
0xd: {  	s11 =	sshrl.u32 s10, $0x3;
	s12 =	sshrl.u32 s28, $0x1;
	s20 =	smul.u32 $0x27800, s19  }
0xe: {  	s10 =	sadd.s32 s10, s4;
	s19 =	smul.u32 $0x9E000, s19;
	s7 =	sadd.s32 s6, s0  }
0xf: {  	s9 =	sadd.s32 s8, s0;
	s6 =	sadd.s32 $0x31A00, s0;
	s0 =	sadd.s32 s11, s0  }
0x10: {  	s17 =	ssub.s32 s28, s12;
	s8 =	sadd.s32 s14, s3;
	s12 =	sadd.s32 s1, s29  }
0x11: {  	s13 =	sadd.s32 s14, s13;
	s7 =	sadd.s32 $0x16600, s7;
	s9 =	sadd.s32 $0x1B600, s9  }
0x12: {  	s11 =	sadd.s32 $0x2F200, s0;
	s12 =	sshrl.u32 s12, $0x3;
	s13 =	sshrl.u32 s13, $0x3  }
0x13: {  	s1 =	sadd.s32 s1, s20;
	s19 =	sadd.s32 s14, s19;
	s14 =	sadd.s32 $0x80C00, s0  }
0x14: {  	s17 =	smax.u32 s17, $0x1;
	s20 =	sor.u32 $0x1C02, s31;
	s12 =	sadd.s32 s15, s12  }
0x15: {  	s13 =	sadd.s32 s16, s13;
	s1 =	sshrl.u32 s1, $0x3;
	s30 =	sshrl.u32 s19, $0x3  }
0x16: {  	s19 =	simm.s32 $0x2;
	s15 =	sadd.s32 s15, s1;
	s16 =	sadd.s32 s16, s30  }
.LBB2_1:
0x17: {  	s0 =	simm.s32 @!p0 $0x0;
	s29 =	simm.s32 @!p0 $0x6F00;
	s28 =	simm.s32 @!p0 $0x2  }
0x18: {  	[tilespmem:s29], [sflag:$0x2] =	stream.linear.gather @!p0 [hbm4b:s6+s0], $0x400, $0x38;
	[tilespmem:$0x124C0] =	vst v63  }
0x19: {  	_ =	swait.ge @!p0 [sflag:s28], $0x400  }
0x1a: {  	[sflag:s28] =	ssyncset.done @!p0 $0x0  }
0x1b: {  	s1 =	simm.s32 $0x2780;
	[sflag:s28] =	ssyncadd.s32 @!p0 $0xFFFFFC00  }
0x1c: {  	[tilespmem:s1], [sflag:$0x2] =	stream.linear.gather [hbm4b:s7+s5], $0x2780, $0x38;
	[tilespmem:$0x124C0] =	vst v63  }
0x1d: {  	_ =	swait.ge [sflag:s19], $0x2780  }
0x1e: {  	[sflag:s19] =	ssyncset.done $0x0  }
0x1f: {  	s26 =	sshrl.u32 s8, $0x3;
	[sflag:s19] =	ssyncadd.s32 $0xFFFFD880  }
0x20: {  	[spmem:s26], [sflag:s20] =	dma.local [hbm:s9], $0x13C0  }
0x21: {  	_ =	swait.ge [sflag:s19], $0x13C0  }
0x22: {  	[sflag:s19] =	ssyncset.done $0x0  }
0x23: {  	s30 =	sshrl.u32 @!p0 s10, $0x3;
	[sflag:s19] =	ssyncadd.s32 $0xFFFFEC40  }
0x24: {  	[spmem:s30], [sflag:s20] =	dma.local @!p0 [hbm:s11], $0x278  }
0x25: {  	_ =	swait.ge @!p0 [sflag:s28], $0x278  }
0x26: {  	[sflag:s28] =	ssyncset.done @!p0 $0x0  }
0x27: {  	[sflag:s28] =	ssyncadd.s32 @!p0 $0xFFFFFD88  }
0x28: {  	[tilespmem:s5], [sflag:$0x2] =	stream.linear.gather [hbm4b:s12+s5], $0x2780, $0x38;
	[tilespmem:$0x124C0] =	vst v63  }
0x29: {  	_ =	swait.ge [sflag:s19], $0x2780  }
0x2a: {  	[sflag:s19] =	ssyncset.done $0x0  }
0x2b: {  	[sflag:s19] =	ssyncadd.s32 $0xFFFFD880  }
0x2c: {  	s18 =	simm.s32 $0x0;
	[bflag:$0x0] =	sbarrier.arrive $0xFFFF  }
0x2d: {  	[tilespmem:s22], [sflag:$0x1] =	stream.indirect.gather [hbm4b:s2+s21], $0x40, s18, s21, $0xb8;
	[tilespmem:$0x124C0] =	vst v63  }
0x2e: {  	_ =	swait.ge [sflag:s23], $0x2000  }
0x2f: {  	[sflag:s23] =	ssyncset.done $0x0  }
0x30: {  	s0 =	simm.s32 $0x2780;
	[sflag:s23] =	ssyncadd.s32 $0xFFFFE000  }
0x31: {  	[spmem:s3] =	stream.indirect.scatter.add.f32 [tilespmem:s22], [sflag:$0x3], $0x40, s0, s21, $0xb8;
	[tilespmem:$0x124C0] =	vst v63  }
0x32: {  	_ =	swait.ge [sflag:s24], $0x2000  }
0x33: {  	[sflag:s24] =	ssyncset.done $0x0  }
0x34: {  	s31 =	simm.s32 @!p0 $0x80;
	[sflag:s24] =	ssyncadd.s32 $0xFFFFE000  }
0x35: {  	[spmem:s4] =	stream.indirect.scatter.add.f32 @!p0 [tilespmem:s29], [sflag:$0x2], $0x8, s0, s31, $0xb8;
	[tilespmem:$0x124C0] =	vst v63  }
0x36: {  	_ =	swait.ge @!p0 [sflag:s28], $0x400  }
0x37: {  	s1 =	simm.s32 $0x400;
	s0 =	simm.s32 $0x200;
	[sflag:s28] =	ssyncset.done @!p0 $0x0  }
.LBB2_2:
0x38: {  	s18 =	sshra.s32 s0, $0x2  }
0x39: {  	[sflag:s28] =	ssyncadd.s32 @!p0 $0xFFFFFC00;
	s0 =	smov.u32 s1;
	s1 =	sadd.s32 $0x200, s1  }
0x3a: {  	[tilespmem:s22], [sflag:$0x1] =	stream.indirect.gather [hbm4b:s2+s21], $0x40, s18, s21, $0xb8;
	[tilespmem:$0x124C0] =	vst v63  }
0x3b: {  	p1 =	sne.s32 s1, $0x9E00;
	_ =	swait.ge [sflag:s23], $0x2000  }
0x3c: {  	[sflag:s23] =	ssyncset.done $0x0  }
0x3d: {  	s18 =	sadd.s32 $0x2780, s18;
	[sflag:s23] =	ssyncadd.s32 $0xFFFFE000  }
0x3e: {  	[spmem:s3] =	stream.indirect.scatter.add.f32 [tilespmem:s22], [sflag:$0x3], $0x40, s18, s21, $0xb8;
	[tilespmem:$0x124C0] =	vst v63  }
0x3f: {  	_ =	swait.ge [sflag:s24], $0x2000  }
.Ltmp0:
0x40: {  	[sflag:s24] =	ssyncset.done $0x0;
	(pc) =	sbr.rel @p1 .LBB2_2-.Ltmp0, $4  }
0x41: {  	[sflag:s24] =	ssyncadd.s32 $0xFFFFE000  }
0x42: {  	[spmem:s4] =	stream.indirect.scatter.add.f32 @!p0 [tilespmem:s29], [sflag:$0x2], $0x8, s18, s31, $0xb8;
	[tilespmem:$0x124C0] =	vst v63  }
0x43: {  	_ =	swait.ge @!p0 [sflag:s28], $0x400  }
0x44: {  	[sflag:s28] =	ssyncset.done @!p0 $0x0  }
0x45: {  	s0 =	sshra.s32 s0, $0x2;
	[sflag:s28] =	ssyncadd.s32 @!p0 $0xFFFFFC00  }
0x46: {  	[tilespmem:s22], [sflag:$0x1] =	stream.indirect.gather [hbm4b:s2+s21], $0x40, s0, s21, $0xb8;
	[tilespmem:$0x124C0] =	vst v63  }
0x47: {  	_ =	swait.ge [sflag:s23], $0x2000  }
0x48: {  	[sflag:s23] =	ssyncset.done $0x0  }
0x49: {  	s0 =	sadd.s32 $0x2780, s0;
	[sflag:s23] =	ssyncadd.s32 $0xFFFFE000  }
0x4a: {  	[spmem:s3] =	stream.indirect.scatter.add.f32 [tilespmem:s22], [sflag:$0x3], $0x40, s0, s21, $0xb8;
	[tilespmem:$0x124C0] =	vst v63  }
0x4b: {  	_ =	swait.ge [sflag:s24], $0x2000  }
0x4c: {  	[sflag:s24] =	ssyncset.done $0x0  }
0x4d: {  	s1 =	simm.s32 @!p0 $0x80;
	[sflag:s24] =	ssyncadd.s32 $0xFFFFE000  }
0x4e: {  	[spmem:s4] =	stream.indirect.scatter.add.f32 @!p0 [tilespmem:s29], [sflag:$0x2], $0x8, s0, s1, $0xb8;
	[tilespmem:$0x124C0] =	vst v63  }
0x4f: {  	_ =	swait.ge @!p0 [sflag:s28], $0x400  }
0x50: {  	[sflag:s28] =	ssyncset.done @!p0 $0x0  }
0x51: {  	[sflag:s28] =	ssyncadd.s32 @!p0 $0xFFFFFC00  }
0x52: {  	[bflag:$0x0] =	sbarrier.arrive $0xFFFF  }
0x53: {  	[hbm:s13], [sflag:s20] =	dma.local [spmem:s26], $0x13C0  }
0x54: {  	_ =	swait.ge [sflag:s19], $0x13C0  }
0x55: {  	[sflag:s19] =	ssyncset.done $0x0  }
0x56: {  	s0 =	simm.s32 @!p0 $0x2;
	[sflag:s19] =	ssyncadd.s32 $0xFFFFEC40  }
0x57: {  	[hbm:s14], [sflag:s20] =	dma.local @!p0 [spmem:s30], $0x278  }
0x58: {  	_ =	swait.ge @!p0 [sflag:s0], $0x278  }
0x59: {  	[sflag:s0] =	ssyncset.done @!p0 $0x0  }
0x5a: {  	[sflag:s0] =	ssyncadd.s32 @!p0 $0xFFFFFD88  }
0x5b: {  	[spmem:s26], [sflag:s20] =	dma.local [hbm:s9], $0x13C0  }
0x5c: {  	_ =	swait.ge [sflag:s19], $0x13C0  }
0x5d: {  	[sflag:s19] =	ssyncset.done $0x0  }
0x5e: {  	s29 =	simm.s32 $0x0;
	[sflag:s19] =	ssyncadd.s32 $0xFFFFEC40  }
0x5f: {  	[tilespmem:s29], [sflag:$0x2] =	stream.linear.gather [hbm4b:s15+s29], $0x2780, $0x38;
	[tilespmem:$0x124C0] =	vst v63  }
0x60: {  	_ =	swait.ge [sflag:s19], $0x2780  }
0x61: {  	[sflag:s19] =	ssyncset.done $0x0  }
0x62: {  	[sflag:s19] =	ssyncadd.s32 $0xFFFFD880  }
0x63: {  	s30 =	simm.s32 $0x0;
	[bflag:$0x0] =	sbarrier.arrive $0xFFFF  }
0x64: {  	[tilespmem:s22], [sflag:$0x1] =	stream.indirect.gather [hbm4b:s2+s21], $0x40, s30, s21, $0xb8;
	[tilespmem:$0x124C0] =	vst v63  }
0x65: {  	_ =	swait.ge [sflag:s23], $0x2000  }
0x66: {  	[sflag:s23] =	ssyncset.done $0x0  }
0x67: {  	s31 =	simm.s32 $0x2780;
	[sflag:s23] =	ssyncadd.s32 $0xFFFFE000  }
0x68: {  	[spmem:s3] =	stream.indirect.scatter.add.f32 [tilespmem:s22], [sflag:$0x2], $0x40, s31, s21, $0xb8;
	[tilespmem:$0x124C0] =	vst v63  }
0x69: {  	_ =	swait.ge [sflag:s19], $0x2000  }
0x6a: {  	s1 =	simm.s32 $0x400;
	s0 =	simm.s32 $0x200;
	[sflag:s19] =	ssyncset.done $0x0  }
.LBB2_4:
0x6b: {  	s18 =	sshra.s32 s0, $0x2  }
0x6c: {  	[sflag:s19] =	ssyncadd.s32 $0xFFFFE000;
	s0 =	smov.u32 s1;
	s28 =	sadd.s32 $0x200, s1  }
0x6d: {  	[tilespmem:s22], [sflag:$0x1] =	stream.indirect.gather [hbm4b:s2+s21], $0x40, s18, s21, $0xb8;
	[tilespmem:$0x124C0] =	vst v63  }
0x6e: {  	p1 =	sne.s32 s1, $0x9C00;
	_ =	swait.ge [sflag:s23], $0x2000  }
.Ltmp1:
0x6f: {  	[sflag:s23] =	ssyncset.done $0x0;
	(pc) =	sbr.rel @p1 .LBB2_4-.Ltmp1, $4  }
0x70: {  	s1 =	sadd.s32 $0x2780, s18;
	[sflag:s23] =	ssyncadd.s32 $0xFFFFE000  }
0x71: {  	[spmem:s3] =	stream.indirect.scatter.add.f32 [tilespmem:s22], [sflag:$0x2], $0x40, s1, s21, $0xb8;
	[tilespmem:$0x124C0] =	vst v63  }
0x72: {  	_ =	swait.ge [sflag:s19], $0x2000  }
0x73: {  	s1 =	smov.u32 s28;
	[sflag:s19] =	ssyncset.done $0x0  }
0x74: {  	s0 =	sshra.s32 s0, $0x2;
	[sflag:s19] =	ssyncadd.s32 $0xFFFFE000  }
0x75: {  	[tilespmem:s22], [sflag:$0x1] =	stream.indirect.gather [hbm4b:s2+s21], $0x40, s0, s21, $0xb8;
	[tilespmem:$0x124C0] =	vst v63  }
0x76: {  	_ =	swait.ge [sflag:s23], $0x2000  }
0x77: {  	[sflag:s23] =	ssyncset.done $0x0  }
0x78: {  	s0 =	sadd.s32 $0x2780, s0;
	[sflag:s23] =	ssyncadd.s32 $0xFFFFE000  }
0x79: {  	[spmem:s3] =	stream.indirect.scatter.add.f32 [tilespmem:s22], [sflag:$0x2], $0x40, s0, s21, $0xb8;
	[tilespmem:$0x124C0] =	vst v63  }
0x7a: {  	_ =	swait.ge [sflag:s19], $0x2000  }
0x7b: {  	s25 =	sadd.s32 $0x1, s25;
	[sflag:s19] =	ssyncset.done $0x0  }
0x7c: {  	p1 =	sne.s32 s25, s17;
	[sflag:s19] =	ssyncadd.s32 $0xFFFFE000  }
.Ltmp2:
0x7d: {  	[bflag:$0x0] =	sbarrier.arrive $0xFFFF;
	(pc) =	sbr.rel @p1 .LBB2_1-.Ltmp2, $4  }
0x7e: {  	[hbm:s16], [sflag:s20] =	dma.local [spmem:s26], $0x13C0  }
0x7f: {  	_ =	swait.ge [sflag:s19], $0x13C0  }
0x80: {  	[sflag:s19] =	ssyncset.done $0x0  }
0x81: {  	[sflag:s19] =	ssyncadd.s32 $0xFFFFEC40  }
0x82: {  	_ =	sfence.sel $0x180000  }
0x83: {  	[bflag:$0x0] =	sbarrier.arrive $0xFFFF  }
0x84: {  	_ =	strace $0x90000047  }
0x85: {  	s0 =	stileid.u32;
	[bflag:$0x2] =	sbarrier.arrive $0xFFFF  }
0x86: {  	p0 =	sne.s32 s0, $0x0;
	s0 =	rddreg [dreg:$0x4]  }
0x87: {  	s0 =	sadd.s32 @!p0 $0x100000, s0  }
0x88: {  	[sflag:s0] =	ssyncadd.tile.s32 @!p0 $0x1;
	_ =	shalt  }
.Lfunc_end2:
_tile_overlayer_lowered:
.L_overlay_start_2:
0x89: {  	(tag) =	ssettag $0x2  }
0x8a: {  	s0 =	rddreg [dreg:$0x0];
	s2 =	stileid.u32  }
0x8b: {  	s1 =	rddreg [dreg:$0x1];
	p0 =	sne.s32 s2, $0x0  }
0x8c: {  	s3 =	rddreg [dreg:$0x2];
	[bflag:$0x3] =	sbarrier.arrive $0xFFFF;
	s2 =	simm.s32 @!p0 $0x1C02  }
0x8d: {  	[timem:s3], [sflag:s2] =	dma.local @!p0 [hbm:s0], s1  }
0x8e: {  	s0 =	simm.s32 @!p0 $0x2  }
0x8f: {  	_ =	swait.ge @!p0 [sflag:s0], s1  }
0x90: {  	s1 =	ssub.s32 @!p0 $0x0, s1;
	[sflag:s0] =	ssyncset.done @!p0 $0x0  }
0x91: {  	[sflag:s0] =	ssyncadd.s32 @!p0 s1  }
0x92: {  	[bflag:$0x3] =	sbarrier.arrive $0xFFFF  }
0x93: {  	_ =	shalt  }

// kernel: kernel.9.cloned.1.call-start
scs
__scs_entry_jumppad:
0x0: {  	(pc) =	sbr.rel $0x88, $3  }
0x1: {  	(tag) =	ssettag $0x0;
	lr =	simm.s32 $0x1  }
0x2: {  	[smem:$0x3F97] =	sst lr;
	_ =	strace $0xD0000000  }
0x3: {  	_ = 	snop  }
0x4: {  	_ = 	snop  }
0x5: {  	_ = 	snop  }
0x6: {  	_ = 	snop  }
0x7: {  	_ = 	snop  }
__scs_overlays_trampoline_lowered:
0x8: {  	[smem:$0x3FA6] =	sst s0  }
0x9: {  	[smem:$0x3FA7] =	sst s1  }
0xa: {  	[smem:$0x3FA8] =	sst s2  }
0xb: {  	[smem:$0x3FA9] =	sst s3  }
0xc: {  	[smem:$0x3FAA] =	sst s4  }
0xd: {  	[smem:$0x3FAB] =	sst s5  }
0xe: {  	[smem:$0x3FAC] =	sst s6  }
0xf: {  	[smem:$0x3FAD] =	sst s7  }
0x10: {  	[smem:$0x3FAE] =	sst s8  }
0x11: {  	[smem:$0x3FAF] =	sst s9;
	s0 =	simm.s32 @!p0 $0x0  }
0x12: {  	s1 =	sld [smem:$0x3F95];
	s0 =	simm.s32 @p0 $0x1  }
0x13: {  	[smem:$0x3FB0] =	sst s0;
	s0 =	simm.s32 @!p1 $0x0  }
0x14: {  	s2 =	sld [smem:$0x3F94];
	s0 =	simm.s32 @p1 $0x1  }
0x15: {  	[smem:$0x3FB1] =	sst s0;
	s0 =	simm.s32 @!p2 $0x0  }
0x16: {  	s3 =	sld [smem:$0x3FDB];
	s0 =	simm.s32 @p2 $0x1  }
0x17: {  	s4 =	simm.s32 $0x1BF5;
	[smem:$0x3FB3] =	sst s0  }
0x18: {  	s0 =	sld [smem:$0x3F96];
	_ =	swait.ge [sflag:s4], $0x0  }
0x19: {  	s7 =	sld [smem:$0x3F97]  }
0x1a: {  	s8 =	sadd.s32 $0xFFFFE003, lr  }
0x1b: {  	s9 =	sadd.s32 $0xFFFFFEF7, lr;
	s5 =	simm.s32 $0xFFFFFFFF;
	p2 =	slt.u32 s8, $0xFFFFF086  }
0x1c: {  	p1 =	slt.u32 s9, $0xF7A;
	s5 =	simm.s32 @!p2 $0x0  }
0x1d: {  	s5 =	simm.s32 @p1 $0x1;
	p0 =	seq.s32 s7, s2  }
0x1e: {  	s7 =	smul.u32 @!p0 $0xF7A, s2;
	p2 =	seq.s32 @!p0 s5, $0x0  }
0x1f: {  	s9 =	smul.u32 $0xF7A, s1;
	s8 =	simm.s32 @!p0 $0x1BF5;
	p2 =	por !p2, p0  }
0x20: {  	[sflag:s8] =	ssyncset.s32 @!p0 $0xFFFFF086;
	s6 =	sadd.s32 @!p0 s3, s7;
	s7 =	simm.s32 @!p0 $0x108  }
0x21: {  	s3 =	sadd.s32 s3, s9;
	s6 =	sadd.s32 @!p0 $0x88, s6;
	s7 =	simm.s32 @p2 $0x1082  }
0x22: {  	[simem:s7], [sflag:s8] =	dma.local @!p0 [hbm:s6], $0xF7A  }
0x23: {  	s9 =	sor.u32 $0xD0000000, s2;
	s6 =	simm.s32 $0x108;
	_ =	swait.ge @!p0 [sflag:s8], $0x0  }
0x24: {  	s3 =	sadd.s32 $0x88, s3;
	s6 =	simm.s32 @!p1 $0x1082;
	[sflag:s4] =	ssyncset.s32 $0xFFFFF086  }
0x25: {  	[simem:s6], [sflag:s4] =	dma.local [hbm:s3], $0xF7A  }
0x26: {  	[smem:$0x3F97] =	sst s1;
	(tag) =	ssettag s2;
	_ =	strace s9  }
0x27: {  	s1 =	sld [smem:$0x3FA7]  }
0x28: {  	s2 =	sld [smem:$0x3FA8]  }
0x29: {  	s4 =	sld [smem:$0x3FAA]  }
0x2a: {  	p0 =	seq.s32 s5, $0x0;
	s5 =	sld [smem:$0x3FAB]  }
0x2b: {  	s6 =	sld [smem:$0x3FAC]  }
0x2c: {  	s7 =	sld [smem:$0x3FAD]  }
0x2d: {  	s3 =	simm.s32 $0x108;
	s8 =	sld [smem:$0x3FAE]  }
0x2e: {  	s3 =	simm.s32 @!p0 $0x1082;
	s9 =	sld [smem:$0x3FAF]  }
0x2f: {  	lr =	sadd.s32 s0, s3;
	s0 =	sld [smem:$0x3FA6]  }
0x30: {  	s3 =	sld [smem:$0x3FA9]  }
0x31: {  	[smem:$0x3FB2] =	sst s10  }
0x32: {  	s10 =	sld [smem:$0x3FB0];
	_ =	sdelay $0x3  }
0x33: {  	p0 =	seq.s32 s10, $0x1;
	s10 =	sld [smem:$0x3FB2];
	_ =	sdelay $0x3  }
0x34: {  	[smem:$0x3FB2] =	sst s10  }
0x35: {  	s10 =	sld [smem:$0x3FB1];
	_ =	sdelay $0x3  }
0x36: {  	p1 =	seq.s32 s10, $0x1;
	s10 =	sld [smem:$0x3FB2];
	_ =	sdelay $0x3  }
0x37: {  	[smem:$0x3FB2] =	sst s10  }
0x38: {  	s10 =	sld [smem:$0x3FB3]  }
0x39: {  	_ = 	snop;
	(pc) =	sbr.ind lr, $3  }
0x3a: {  	_ = 	snop  }
0x3b: {  	_ = 	snop  }
0x3c: {  	p2 =	seq.s32 s10, $0x1;
	s10 =	sld [smem:$0x3FB2]  }
0x3d: {  	_ =	shalt  }
0x3e: {  	_ =	shalt  }
0x3f: {  	_ =	shalt  }
0x40: {  	_ =	shalt  }
0x41: {  	_ =	shalt  }
0x42: {  	_ =	shalt  }
0x43: {  	_ =	shalt  }
0x44: {  	_ =	shalt  }
0x45: {  	_ =	shalt  }
0x46: {  	_ =	shalt  }
0x47: {  	_ =	shalt  }
0x48: {  	_ =	shalt  }
0x49: {  	_ =	shalt  }
0x4a: {  	_ =	shalt  }
0x4b: {  	_ =	shalt  }
0x4c: {  	_ =	shalt  }
0x4d: {  	_ =	shalt  }
0x4e: {  	_ =	shalt  }
0x4f: {  	_ =	shalt  }
0x50: {  	_ =	shalt  }
0x51: {  	_ =	shalt  }
0x52: {  	_ =	shalt  }
0x53: {  	_ =	shalt  }
0x54: {  	_ =	shalt  }
0x55: {  	_ =	shalt  }
0x56: {  	_ =	shalt  }
0x57: {  	_ =	shalt  }
0x58: {  	_ =	shalt  }
0x59: {  	_ =	shalt  }
0x5a: {  	_ =	shalt  }
0x5b: {  	_ =	shalt  }
0x5c: {  	_ =	shalt  }
0x5d: {  	_ =	shalt  }
0x5e: {  	_ =	shalt  }
0x5f: {  	_ =	shalt  }
0x60: {  	_ =	shalt  }
0x61: {  	_ =	shalt  }
0x62: {  	_ =	shalt  }
0x63: {  	_ =	shalt  }
0x64: {  	_ =	shalt  }
0x65: {  	_ =	shalt  }
0x66: {  	_ =	shalt  }
0x67: {  	_ =	shalt  }
0x68: {  	_ =	shalt  }
0x69: {  	_ =	shalt  }
0x6a: {  	_ =	shalt  }
0x6b: {  	_ =	shalt  }
0x6c: {  	_ =	shalt  }
0x6d: {  	_ =	shalt  }
0x6e: {  	_ =	shalt  }
0x6f: {  	_ =	shalt  }
0x70: {  	_ =	shalt  }
0x71: {  	_ =	shalt  }
0x72: {  	_ =	shalt  }
0x73: {  	_ =	shalt  }
0x74: {  	_ =	shalt  }
0x75: {  	_ =	shalt  }
0x76: {  	_ =	shalt  }
0x77: {  	_ =	shalt  }
0x78: {  	_ =	shalt  }
0x79: {  	_ =	shalt  }
0x7a: {  	_ =	shalt  }
0x7b: {  	_ =	shalt  }
0x7c: {  	_ =	shalt  }
0x7d: {  	_ =	shalt  }
0x7e: {  	_ =	shalt  }
0x7f: {  	_ =	shalt  }
0x80: {  	_ =	shalt  }
0x81: {  	_ =	shalt  }
0x82: {  	_ =	shalt  }
0x83: {  	_ =	shalt  }
0x84: {  	_ =	shalt  }
0x85: {  	_ =	shalt  }
0x86: {  	_ =	shalt  }
0x87: {  	_ =	shalt  }
.Lfunc_end0:
.L_simem_size_0:
called_computation.1_lowered:
.L_overlay_start_0:
0x88: {  	s2 =	sld [smem:$0x3FD9]  }
0x89: {  	s3 =	sld [smem:$0x3FFE];
	_ =	sdelay $0x1  }
0x8a: {  	s1 =	srdreg.scid  }
0x8b: {  	s0 =	sand.u32 $0x1, s1  }
0x8c: {  	s15 =	sshll.u32 s0, $0xA;
	s2 =	sadd.s32 s3, s2  }
0x8d: {  	s2 =	sadd.s32 s2, s15  }
0x8e: {  	[smem:$0x3FBE] =	sst s2  }
0x8f: {  	_ = 	snop  }
0x90: {  	s2 =	sld [smem:$0x3FD0];
	_ =	sdelay $0x2  }
0x91: {  	s16 =	simm.s32 $0xB;
	s4 =	simm.s32 $0x10  }
0x92: {  	[smem:s4], [sflag:s16] =	dma.local [hbm:s2], $0x1  }
0x93: {  	_ =	swait.eq [sflag:s16], $0x1  }
0x94: {  	[sflag:s16] =	ssyncset.done $0x0  }
0x95: {  	[sflag:s16] =	ssyncadd.s32 $0xFFFFFFFF  }
0x96: {  	s17 =	sld [smem:$0x11];
	(tm) =	ssettm $0x1  }
0x97: {  	s18 =	sld [smem:$0x3FFB];
	_ =	sdelay $0x3  }
0x98: {  	_ =	strace s18  }
0x99: {  	s2 =	sld [smem:$0x3FFC];
	_ =	sdelay $0x3  }
0x9a: {  	_ =	strace s2  }
0x9b: {  	s2 =	sld [smem:$0x3FFD];
	_ =	sdelay $0x3  }
0x9c: {  	_ =	strace s2  }
0x9d: {  	_ =	strace $0x8FFFFFFF  }
0x9e: {  	s19 =	sld [smem:$0x3FDB];
	_ =	sdelay $0x1  }
0x9f: {  	s20 =	simm.s32 $_scs_section_size  }
0xa0: {  	s5 =	simm.s32 $_size__tile_overlayer_lowered;
	s6 =	simm.s32 $_tile_overlayer_lowered  }
0xa1: {  	s7 =	simm.s32 $0x1BFF;
	s21 =	sshll.u32 s6, $0x1;
	s4 =	sadd.s32 s20, s19  }
0xa2: {  	s22 =	simm.s32 $0x0;
	s5 =	sshll.u32 s5, $0x1;
	s6 =	sadd.s32 s21, s4  }
0xa3: {  	[timem:s22], [sflag:s7] =	dma.local [hbm:s6], s5  }
0xa4: {  	_ =	swait.ge [sflag:s7], s5  }
0xa5: {  	s5 =	ssub.s32 $0x0, s5;
	[sflag:s7] =	ssyncset.done $0x0  }
0xa6: {  	[sflag:s7] =	ssyncadd.s32 s5;
	_ =	sdelay $0x1  }
0xa7: {  	s23 =	simm.s32 $0x1B8B  }
0xa8: {  	_ =	swait.ge [sflag:s23], $0x1  }
0xa9: {  	[sflag:s23] =	ssyncset.done $0x0  }
0xaa: {  	[sflag:s23] =	ssyncadd.s32 $0xFFFFFFFF  }
0xab: {  	s5 =	sld [smem:$0x0]  }
0xac: {  	s6 =	sand.u32 $0xFFFFFFFE, s1  }
0xad: {  	p0 =	sne.s32 s1, s6  }
0xae: {  	s6 =	sshll.u32 @p0 s6, $0xE  }
0xaf: {  	s6 =	sadd.s32 @p0 $0x11B8D, s6;
	s7 =	sshll.u32 @p0 s5, $0x11  }
0xb0: {  	s6 =	sor.u32 @p0 s7, s6  }
0xb1: {  	[sflag:s6] =	ssyncadd.remote.s32 @p0 $0x1;
	_ =	sdelay $0x1  }
0xb2: {  	s6 =	simm.s32 @p0 $0x1B8D  }
0xb3: {  	_ =	swait.eq @p0 [sflag:s6], $0x1  }
0xb4: {  	[sflag:s6] =	ssyncadd.s32 @p0 $0xFFFFFFFF  }
0xb5: {  	s7 =	sshll.u32 @!p0 s1, $0xE  }
0xb6: {  	s7 =	sor.u32 @!p0 $0x4000, s7;
	s6 =	simm.s32 @!p0 $0x1B8D  }
0xb7: {  	s5 =	sshll.u32 @!p0 s5, $0x11;
	s7 =	sadd.s32 @!p0 $0x11B8D, s7;
	_ =	swait.eq @!p0 [sflag:s6], $0x1  }
0xb8: {  	s5 =	sor.u32 @!p0 s5, s7;
	[sflag:s6] =	ssyncadd.s32 @!p0 $0xFFFFFFFF  }
0xb9: {  	s25 =	simm.s32 $0x1B8E;
	s24 =	sld [smem:$0x3FFE];
	[sflag:s5] =	ssyncadd.remote.s32 @!p0 $0x1  }
0xba: {  	s26 =	simm.s32 $execute0_lowered;
	[smem:$0x3FD2] =	sst s25  }
0xbb: {  	s6 =	sshll.u32 s26, $0x1;
	_ =	strace $0x80000049;
	[dreg:$0x1] =	wrdreg $0xFFFFFFFF  }
0xbc: {  	s28 =	simm.s32 $_size_execute0_lowered;
	s4 =	sadd.s32 s4, s6;
	[dreg:$0x0] =	wrdreg $0x0  }
0xbd: {  	s6 =	sshll.u32 s28, $0x1;
	[dreg:$0x2] =	wrdreg s4  }
0xbe: {  	[dreg:$0x3] =	wrdreg s6  }
0xbf: {  	[dreg:$0x4] =	wrdreg $0xC0  }
0xc0: {  	_ =	task [dreg:s22], $0x5FFFF  }
0xc1: {  	[dreg:$0x1] =	wrdreg $0xFFFFFFFF  }
0xc2: {  	[dreg:$0x0] =	wrdreg $0x60  }
0xc3: {  	[dreg:$0x2] =	wrdreg s17  }
0xc4: {  	[dreg:$0x3] =	wrdreg s24  }
0xc5: {  	[dreg:$0x4] =	wrdreg $0x73000  }
0xc6: {  	[dreg:$0x5] =	wrdreg $0x111000  }
0xc7: {  	[dreg:$0x6] =	wrdreg $0xA  }
0xc8: {  	_ =	task.clear_ibuf [dreg:s22], $0x7FFFF;
	_ =	strace $0x90000049  }
0xc9: {  	s29 =	simm.s32 $0xA;
	_ =	strace $0x8000004B  }
0xca: {  	_ =	swait.ge [sflag:s29], $0x1  }
0xcb: {  	[sflag:s29] =	ssyncadd.s32 $0xFFFFFFFF  }
0xcc: {  	_ =	strace $0x9000004B  }
0xcd: {  	_ =	sfence  }
0xce: {  	s30 =	sld [smem:$0x0];
	_ =	sdelay $0x2  }
0xcf: {  	s31 =	sshll.u32 s1, $0xD;
	s1 =	sshrl.u32 s1, $0x2  }
0xd0: {  	s4 =	sand.u32 $0x4000, s31;
	s1 =	sadd.s32 s1, s30  }
0xd1: {  	s0 =	sor.u32 s4, s0;
	s1 =	sshll.u32 s1, $0x11  }
0xd2: {  	s0 =	sor.u32 s1, s0  }
0xd3: {  	s0 =	sadd.s32 $0x8F2B, s0  }
0xd4: {  	[sflag:s0] =	ssyncadd.remote.s32 $0x1  }
0xd5: {  	_ =	sfence.sel $0xFFFF  }
0xd6: {  	[dreg:$0x0] =	wrdreg $0xFFFFFFFF;
	(pc) =	sbr.abs _section_cstart, $3  }
0xd7: {  	[dreg:$0x1] =	wrdreg $0xFFFFFFFF  }
0xd8: {  	_ =	task.clear_ibuf [dreg:s22], $0x2FFFF;
	_ =	strace $0x9FFFFFFF  }
0xd9: {  	(tm) =	ssettm $0x7FFFFFFF  }
tec
execute0_lowered:
.L_overlay_start_1:
0x0: {  	(tag) =	ssettag $0x1  }
0x1: {  	s2 =	rddreg [dreg:$0x0]  }
0x2: {  	s0 =	rddreg [dreg:$0x1]  }
0x3: {  	s3 =	rddreg [dreg:$0x2]  }
0x4: {  	s4 =	rddreg [dreg:$0x3]  }
0x5: {  	s21 =	stileid.u32;
	s5 =	simm.s32 $0x0;
	s26 =	srdreg.scid  }
0x6: {  	s22 =	simm.s32 $0x4F00;
	s23 =	simm.s32 $0x1;
	s1 =	smul.u32 $0x2780, s21  }
0x7: {  	s24 =	simm.s32 $0x3;
	s25 =	simm.s32 $0x0;
	s14 =	smul.u32 $0x9E00, s21  }
0x8: {  	[smem:$0x7FF] =	sst s5;
	s15 =	sadd.s32 $0x83400, s0;
	s10 =	smul.u32 $0x13C0, s21  }
0x9: {  	s18 =	sand.u32 $0x1, s26;
	s16 =	sadd.s32 $0x9C000, s0;
	s31 =	sshll.u32 s21, $0x6  }
0xa: {  	s21 =	simm.s32 $0x80;
	_ =	strace $0x8000004A;
	s29 =	smul.u32 $0x27800, s18  }
0xb: {  	s28 =	ssub.s32 $0x2, s18;
	s13 =	smul.u32 $0x9E000, s18;
	s19 =	sor.u32 $0x2, s18  }
0xc: {  	p0 =	sne.s32 s18, $0x0;
	s6 =	sshrl.u32 s1, $0x3;
	s8 =	sshrl.u32 s14, $0x3  }
0xd: {  	s11 =	sshrl.u32 s10, $0x3;
	s12 =	sshrl.u32 s28, $0x1;
	s20 =	smul.u32 $0x27800, s19  }
0xe: {  	s10 =	sadd.s32 s10, s4;
	s19 =	smul.u32 $0x9E000, s19;
	s7 =	sadd.s32 s6, s0  }
0xf: {  	s9 =	sadd.s32 s8, s0;
	s6 =	sadd.s32 $0x31A00, s0;
	s0 =	sadd.s32 s11, s0  }
0x10: {  	s17 =	ssub.s32 s28, s12;
	s8 =	sadd.s32 s14, s3;
	s12 =	sadd.s32 s1, s29  }
0x11: {  	s13 =	sadd.s32 s14, s13;
	s7 =	sadd.s32 $0x97000, s7;
	s9 =	sadd.s32 $0x1B600, s9  }
0x12: {  	s11 =	sadd.s32 $0x2F200, s0;
	s12 =	sshrl.u32 s12, $0x3;
	s13 =	sshrl.u32 s13, $0x3  }
0x13: {  	s1 =	sadd.s32 s1, s20;
	s19 =	sadd.s32 s14, s19;
	s14 =	sadd.s32 $0xEB000, s0  }
0x14: {  	s17 =	smax.u32 s17, $0x1;
	s20 =	sor.u32 $0x1C02, s31;
	s12 =	sadd.s32 s15, s12  }
0x15: {  	s13 =	sadd.s32 s16, s13;
	s1 =	sshrl.u32 s1, $0x3;
	s30 =	sshrl.u32 s19, $0x3  }
0x16: {  	s19 =	simm.s32 $0x2;
	s15 =	sadd.s32 s15, s1;
	s16 =	sadd.s32 s16, s30  }
.LBB2_1:
0x17: {  	s0 =	simm.s32 @!p0 $0x0;
	s29 =	simm.s32 @!p0 $0x6F00;
	s28 =	simm.s32 @!p0 $0x2  }
0x18: {  	[tilespmem:s29], [sflag:$0x2] =	stream.linear.gather @!p0 [hbm4b:s6+s0], $0x400, $0x38;
	[tilespmem:$0x124C0] =	vst v63  }
0x19: {  	_ =	swait.ge @!p0 [sflag:s28], $0x400  }
0x1a: {  	[sflag:s28] =	ssyncset.done @!p0 $0x0  }
0x1b: {  	s1 =	simm.s32 $0x2780;
	[sflag:s28] =	ssyncadd.s32 @!p0 $0xFFFFFC00  }
0x1c: {  	[tilespmem:s1], [sflag:$0x2] =	stream.linear.gather [hbm4b:s7+s5], $0x2780, $0x38;
	[tilespmem:$0x124C0] =	vst v63  }
0x1d: {  	_ =	swait.ge [sflag:s19], $0x2780  }
0x1e: {  	[sflag:s19] =	ssyncset.done $0x0  }
0x1f: {  	s26 =	sshrl.u32 s8, $0x3;
	[sflag:s19] =	ssyncadd.s32 $0xFFFFD880  }
0x20: {  	[spmem:s26], [sflag:s20] =	dma.local [hbm:s9], $0x13C0  }
0x21: {  	_ =	swait.ge [sflag:s19], $0x13C0  }
0x22: {  	[sflag:s19] =	ssyncset.done $0x0  }
0x23: {  	s30 =	sshrl.u32 @!p0 s10, $0x3;
	[sflag:s19] =	ssyncadd.s32 $0xFFFFEC40  }
0x24: {  	[spmem:s30], [sflag:s20] =	dma.local @!p0 [hbm:s11], $0x278  }
0x25: {  	_ =	swait.ge @!p0 [sflag:s28], $0x278  }
0x26: {  	[sflag:s28] =	ssyncset.done @!p0 $0x0  }
0x27: {  	[sflag:s28] =	ssyncadd.s32 @!p0 $0xFFFFFD88  }
0x28: {  	[tilespmem:s5], [sflag:$0x2] =	stream.linear.gather [hbm4b:s12+s5], $0x2780, $0x38;
	[tilespmem:$0x124C0] =	vst v63  }
0x29: {  	_ =	swait.ge [sflag:s19], $0x2780  }
0x2a: {  	[sflag:s19] =	ssyncset.done $0x0  }
0x2b: {  	[sflag:s19] =	ssyncadd.s32 $0xFFFFD880  }
0x2c: {  	s18 =	simm.s32 $0x0;
	[bflag:$0x0] =	sbarrier.arrive $0xFFFF  }
0x2d: {  	[tilespmem:s22], [sflag:$0x1] =	stream.indirect.gather [hbm4b:s2+s21], $0x40, s18, s21, $0xb8;
	[tilespmem:$0x124C0] =	vst v63  }
0x2e: {  	_ =	swait.ge [sflag:s23], $0x2000  }
0x2f: {  	[sflag:s23] =	ssyncset.done $0x0  }
0x30: {  	s0 =	simm.s32 $0x2780;
	[sflag:s23] =	ssyncadd.s32 $0xFFFFE000  }
0x31: {  	[spmem:s3] =	stream.indirect.scatter.add.f32 [tilespmem:s22], [sflag:$0x3], $0x40, s0, s21, $0xb8;
	[tilespmem:$0x124C0] =	vst v63  }
0x32: {  	_ =	swait.ge [sflag:s24], $0x2000  }
0x33: {  	[sflag:s24] =	ssyncset.done $0x0  }
0x34: {  	s31 =	simm.s32 @!p0 $0x80;
	[sflag:s24] =	ssyncadd.s32 $0xFFFFE000  }
0x35: {  	[spmem:s4] =	stream.indirect.scatter.add.f32 @!p0 [tilespmem:s29], [sflag:$0x2], $0x8, s0, s31, $0xb8;
	[tilespmem:$0x124C0] =	vst v63  }
0x36: {  	_ =	swait.ge @!p0 [sflag:s28], $0x400  }
0x37: {  	s1 =	simm.s32 $0x400;
	s0 =	simm.s32 $0x200;
	[sflag:s28] =	ssyncset.done @!p0 $0x0  }
.LBB2_2:
0x38: {  	s18 =	sshra.s32 s0, $0x2  }
0x39: {  	[sflag:s28] =	ssyncadd.s32 @!p0 $0xFFFFFC00;
	s0 =	smov.u32 s1;
	s1 =	sadd.s32 $0x200, s1  }
0x3a: {  	[tilespmem:s22], [sflag:$0x1] =	stream.indirect.gather [hbm4b:s2+s21], $0x40, s18, s21, $0xb8;
	[tilespmem:$0x124C0] =	vst v63  }
0x3b: {  	p1 =	sne.s32 s1, $0x9E00;
	_ =	swait.ge [sflag:s23], $0x2000  }
0x3c: {  	[sflag:s23] =	ssyncset.done $0x0  }
0x3d: {  	s18 =	sadd.s32 $0x2780, s18;
	[sflag:s23] =	ssyncadd.s32 $0xFFFFE000  }
0x3e: {  	[spmem:s3] =	stream.indirect.scatter.add.f32 [tilespmem:s22], [sflag:$0x3], $0x40, s18, s21, $0xb8;
	[tilespmem:$0x124C0] =	vst v63  }
0x3f: {  	_ =	swait.ge [sflag:s24], $0x2000  }
.Ltmp0:
0x40: {  	[sflag:s24] =	ssyncset.done $0x0;
	(pc) =	sbr.rel @p1 .LBB2_2-.Ltmp0, $4  }
0x41: {  	[sflag:s24] =	ssyncadd.s32 $0xFFFFE000  }
0x42: {  	[spmem:s4] =	stream.indirect.scatter.add.f32 @!p0 [tilespmem:s29], [sflag:$0x2], $0x8, s18, s31, $0xb8;
	[tilespmem:$0x124C0] =	vst v63  }
0x43: {  	_ =	swait.ge @!p0 [sflag:s28], $0x400  }
0x44: {  	[sflag:s28] =	ssyncset.done @!p0 $0x0  }
0x45: {  	s0 =	sshra.s32 s0, $0x2;
	[sflag:s28] =	ssyncadd.s32 @!p0 $0xFFFFFC00  }
0x46: {  	[tilespmem:s22], [sflag:$0x1] =	stream.indirect.gather [hbm4b:s2+s21], $0x40, s0, s21, $0xb8;
	[tilespmem:$0x124C0] =	vst v63  }
0x47: {  	_ =	swait.ge [sflag:s23], $0x2000  }
0x48: {  	[sflag:s23] =	ssyncset.done $0x0  }
0x49: {  	s0 =	sadd.s32 $0x2780, s0;
	[sflag:s23] =	ssyncadd.s32 $0xFFFFE000  }
0x4a: {  	[spmem:s3] =	stream.indirect.scatter.add.f32 [tilespmem:s22], [sflag:$0x3], $0x40, s0, s21, $0xb8;
	[tilespmem:$0x124C0] =	vst v63  }
0x4b: {  	_ =	swait.ge [sflag:s24], $0x2000  }
0x4c: {  	[sflag:s24] =	ssyncset.done $0x0  }
0x4d: {  	s1 =	simm.s32 @!p0 $0x80;
	[sflag:s24] =	ssyncadd.s32 $0xFFFFE000  }
0x4e: {  	[spmem:s4] =	stream.indirect.scatter.add.f32 @!p0 [tilespmem:s29], [sflag:$0x2], $0x8, s0, s1, $0xb8;
	[tilespmem:$0x124C0] =	vst v63  }
0x4f: {  	_ =	swait.ge @!p0 [sflag:s28], $0x400  }
0x50: {  	[sflag:s28] =	ssyncset.done @!p0 $0x0  }
0x51: {  	[sflag:s28] =	ssyncadd.s32 @!p0 $0xFFFFFC00  }
0x52: {  	[bflag:$0x0] =	sbarrier.arrive $0xFFFF  }
0x53: {  	[hbm:s13], [sflag:s20] =	dma.local [spmem:s26], $0x13C0  }
0x54: {  	_ =	swait.ge [sflag:s19], $0x13C0  }
0x55: {  	[sflag:s19] =	ssyncset.done $0x0  }
0x56: {  	s0 =	simm.s32 @!p0 $0x2;
	[sflag:s19] =	ssyncadd.s32 $0xFFFFEC40  }
0x57: {  	[hbm:s14], [sflag:s20] =	dma.local @!p0 [spmem:s30], $0x278  }
0x58: {  	_ =	swait.ge @!p0 [sflag:s0], $0x278  }
0x59: {  	[sflag:s0] =	ssyncset.done @!p0 $0x0  }
0x5a: {  	[sflag:s0] =	ssyncadd.s32 @!p0 $0xFFFFFD88  }
0x5b: {  	[spmem:s26], [sflag:s20] =	dma.local [hbm:s9], $0x13C0  }
0x5c: {  	_ =	swait.ge [sflag:s19], $0x13C0  }
0x5d: {  	[sflag:s19] =	ssyncset.done $0x0  }
0x5e: {  	s29 =	simm.s32 $0x0;
	[sflag:s19] =	ssyncadd.s32 $0xFFFFEC40  }
0x5f: {  	[tilespmem:s29], [sflag:$0x2] =	stream.linear.gather [hbm4b:s15+s29], $0x2780, $0x38;
	[tilespmem:$0x124C0] =	vst v63  }
0x60: {  	_ =	swait.ge [sflag:s19], $0x2780  }
0x61: {  	[sflag:s19] =	ssyncset.done $0x0  }
0x62: {  	[sflag:s19] =	ssyncadd.s32 $0xFFFFD880  }
0x63: {  	s30 =	simm.s32 $0x0;
	[bflag:$0x0] =	sbarrier.arrive $0xFFFF  }
0x64: {  	[tilespmem:s22], [sflag:$0x1] =	stream.indirect.gather [hbm4b:s2+s21], $0x40, s30, s21, $0xb8;
	[tilespmem:$0x124C0] =	vst v63  }
0x65: {  	_ =	swait.ge [sflag:s23], $0x2000  }
0x66: {  	[sflag:s23] =	ssyncset.done $0x0  }
0x67: {  	s31 =	simm.s32 $0x2780;
	[sflag:s23] =	ssyncadd.s32 $0xFFFFE000  }
0x68: {  	[spmem:s3] =	stream.indirect.scatter.add.f32 [tilespmem:s22], [sflag:$0x2], $0x40, s31, s21, $0xb8;
	[tilespmem:$0x124C0] =	vst v63  }
0x69: {  	_ =	swait.ge [sflag:s19], $0x2000  }
0x6a: {  	s1 =	simm.s32 $0x400;
	s0 =	simm.s32 $0x200;
	[sflag:s19] =	ssyncset.done $0x0  }
.LBB2_4:
0x6b: {  	s18 =	sshra.s32 s0, $0x2  }
0x6c: {  	[sflag:s19] =	ssyncadd.s32 $0xFFFFE000;
	s0 =	smov.u32 s1;
	s28 =	sadd.s32 $0x200, s1  }
0x6d: {  	[tilespmem:s22], [sflag:$0x1] =	stream.indirect.gather [hbm4b:s2+s21], $0x40, s18, s21, $0xb8;
	[tilespmem:$0x124C0] =	vst v63  }
0x6e: {  	p1 =	sne.s32 s1, $0x9C00;
	_ =	swait.ge [sflag:s23], $0x2000  }
.Ltmp1:
0x6f: {  	[sflag:s23] =	ssyncset.done $0x0;
	(pc) =	sbr.rel @p1 .LBB2_4-.Ltmp1, $4  }
0x70: {  	s1 =	sadd.s32 $0x2780, s18;
	[sflag:s23] =	ssyncadd.s32 $0xFFFFE000  }
0x71: {  	[spmem:s3] =	stream.indirect.scatter.add.f32 [tilespmem:s22], [sflag:$0x2], $0x40, s1, s21, $0xb8;
	[tilespmem:$0x124C0] =	vst v63  }
0x72: {  	_ =	swait.ge [sflag:s19], $0x2000  }
0x73: {  	s1 =	smov.u32 s28;
	[sflag:s19] =	ssyncset.done $0x0  }
0x74: {  	s0 =	sshra.s32 s0, $0x2;
	[sflag:s19] =	ssyncadd.s32 $0xFFFFE000  }
0x75: {  	[tilespmem:s22], [sflag:$0x1] =	stream.indirect.gather [hbm4b:s2+s21], $0x40, s0, s21, $0xb8;
	[tilespmem:$0x124C0] =	vst v63  }
0x76: {  	_ =	swait.ge [sflag:s23], $0x2000  }
0x77: {  	[sflag:s23] =	ssyncset.done $0x0  }
0x78: {  	s0 =	sadd.s32 $0x2780, s0;
	[sflag:s23] =	ssyncadd.s32 $0xFFFFE000  }
0x79: {  	[spmem:s3] =	stream.indirect.scatter.add.f32 [tilespmem:s22], [sflag:$0x2], $0x40, s0, s21, $0xb8;
	[tilespmem:$0x124C0] =	vst v63  }
0x7a: {  	_ =	swait.ge [sflag:s19], $0x2000  }
0x7b: {  	s25 =	sadd.s32 $0x1, s25;
	[sflag:s19] =	ssyncset.done $0x0  }
0x7c: {  	p1 =	sne.s32 s25, s17;
	[sflag:s19] =	ssyncadd.s32 $0xFFFFE000  }
.Ltmp2:
0x7d: {  	[bflag:$0x0] =	sbarrier.arrive $0xFFFF;
	(pc) =	sbr.rel @p1 .LBB2_1-.Ltmp2, $4  }
0x7e: {  	[hbm:s16], [sflag:s20] =	dma.local [spmem:s26], $0x13C0  }
0x7f: {  	_ =	swait.ge [sflag:s19], $0x13C0  }
0x80: {  	[sflag:s19] =	ssyncset.done $0x0  }
0x81: {  	[sflag:s19] =	ssyncadd.s32 $0xFFFFEC40  }
0x82: {  	_ =	sfence.sel $0x180000  }
0x83: {  	[bflag:$0x0] =	sbarrier.arrive $0xFFFF  }
0x84: {  	_ =	strace $0x9000004A  }
0x85: {  	s0 =	stileid.u32;
	[bflag:$0x2] =	sbarrier.arrive $0xFFFF  }
0x86: {  	p0 =	sne.s32 s0, $0x0;
	s0 =	rddreg [dreg:$0x4]  }
0x87: {  	s0 =	sadd.s32 @!p0 $0x100000, s0  }
0x88: {  	[sflag:s0] =	ssyncadd.tile.s32 @!p0 $0x1;
	_ =	shalt  }
.Lfunc_end2:
_tile_overlayer_lowered:
.L_overlay_start_2:
0x89: {  	(tag) =	ssettag $0x2  }
0x8a: {  	s0 =	rddreg [dreg:$0x0];
	s2 =	stileid.u32  }
0x8b: {  	s1 =	rddreg [dreg:$0x1];
	p0 =	sne.s32 s2, $0x0  }
0x8c: {  	s3 =	rddreg [dreg:$0x2];
	[bflag:$0x3] =	sbarrier.arrive $0xFFFF;
	s2 =	simm.s32 @!p0 $0x1C02  }
0x8d: {  	[timem:s3], [sflag:s2] =	dma.local @!p0 [hbm:s0], s1  }
0x8e: {  	s0 =	simm.s32 @!p0 $0x2  }
0x8f: {  	_ =	swait.ge @!p0 [sflag:s0], s1  }
0x90: {  	s1 =	ssub.s32 @!p0 $0x0, s1;
	[sflag:s0] =	ssyncset.done @!p0 $0x0  }
0x91: {  	[sflag:s0] =	ssyncadd.s32 @!p0 s1  }
0x92: {  	[bflag:$0x3] =	sbarrier.arrive $0xFFFF  }
0x93: {  	_ =	shalt  }

</sc_bundles>
